<compile_context>
chip_gen: v7x
topology: tpu7x:2x2x1
jax: 0.10.2.dev20260603
libtpu: 0.0.44.dev20260713+nightly
codegen_flags: <defaults>
</compile_context>

<pallas_src>
import functools

import jax
import jax.numpy as jnp
import numpy as np
from jax import lax
from jax.experimental import pallas as pl
from jax.experimental.pallas import tpu as pltpu
from jax.experimental.pallas import tpu_sc as plsc

NC = 2
NS = 16
NW = NC * NS
CHUNK = 128
F0 = 0.75


def _sc_aggregate(features, src0, dst0, src1, dst1, n_pad, ch0, ch1):
    D = features.shape[1]
    ch = max(ch0, ch1)
    rpt = n_pad // NS

    mesh = plsc.VectorSubcoreMesh(core_axis_name="c", subcore_axis_name="s")

    @functools.partial(
        pl.kernel,
        mesh=mesh,
        out_type=jax.ShapeDtypeStruct((NC, n_pad, D), jnp.float32),
        scratch_types=[
            pltpu.VMEM((ch, CHUNK), jnp.int32),
            pltpu.VMEM((ch, CHUNK), jnp.int32),
            pltpu.VMEM((CHUNK, D), jnp.float32),
            pltpu.VMEM_SHARED((n_pad, D), jnp.float32),
            pltpu.SemaphoreType.DMA,
            pltpu.SemaphoreType.DMA,
        ],
    )
    def agg(feat_hbm, src0_h, dst0_h, src1_h, dst1_h, out_hbm, src_v,
            dst_v, gbuf, acc, sem, sem2):
        c = lax.axis_index("c")
        s = lax.axis_index("s")
        base = s * rpt

        zero = jnp.zeros((16,), jnp.float32)

        def zrow(r, carry):
            for j in range(D // 16):
                gbuf[r, pl.ds(j * 16, 16)] = zero
            return carry

        lax.fori_loop(0, CHUNK, zrow, 0)
        off = 0
        while off < rpt:
            step = min(CHUNK, rpt - off)
            pltpu.sync_copy(gbuf.at[pl.ds(0, step)],
                            acc.at[pl.ds(base + off, step)])
            off += step

        half = CHUNK // 2

        def body(j, carry):
            d0 = pltpu.async_copy(feat_hbm.at[src_v.at[j, pl.ds(0, half)]],
                                  gbuf.at[pl.ds(0, half)], sem)
            d1 = pltpu.async_copy(feat_hbm.at[src_v.at[j, pl.ds(half, half)]],
                                  gbuf.at[pl.ds(half, half)], sem2)
            d0.wait()
            d1.wait()
            pltpu.sync_copy(gbuf, acc.at[dst_v.at[j]], add=True)
            return carry

        @pl.when(c == 0)
        def _():
            pltpu.sync_copy(src0_h.at[s], src_v.at[pl.ds(0, ch0)])
            pltpu.sync_copy(dst0_h.at[s], dst_v.at[pl.ds(0, ch0)])

        @pl.when(c != 0)
        def _():
            pltpu.sync_copy(src1_h.at[s], src_v.at[pl.ds(0, ch1)])
            pltpu.sync_copy(dst1_h.at[s], dst_v.at[pl.ds(0, ch1)])

        plsc.subcore_barrier()

        @pl.when(c == 0)
        def _():
            lax.fori_loop(0, ch0, body, 0)

        @pl.when(c != 0)
        def _():
            lax.fori_loop(0, ch1, body, 0)
        plsc.subcore_barrier()

        pltpu.sync_copy(acc.at[pl.ds(base, rpt)],
                        out_hbm.at[c].at[pl.ds(base, rpt)])

    return agg(features, src0, dst0, src1, dst1)


def _tc_transform(partials, features, W1, W2):
    n, D = features.shape
    outd = W1.shape[1]
    blk = 1000
    assert n % blk == 0

    def body(p0_ref, p1_ref, f_ref, w1_ref, w2_ref, o_ref):
        ns = p0_ref[0] + p1_ref[0]
        f = f_ref[...]
        acc = jnp.dot(ns + f, w1_ref[...], preferred_element_type=jnp.float32)
        acc += jnp.dot(ns * f, w2_ref[...], preferred_element_type=jnp.float32)
        o_ref[...] = jnp.where(acc >= 0, acc, 0.2 * acc)

    p0_spec = pl.BlockSpec((1, blk, D), lambda i: (0, i, 0))
    p1_spec = pl.BlockSpec((1, blk, D), lambda i: (1, i, 0))
    row_spec = pl.BlockSpec((blk, D), lambda i: (i, 0))
    w_spec = pl.BlockSpec((D, outd), lambda i: (0, 0))
    return pl.pallas_call(
        body,
        grid=(n // blk,),
        in_specs=[p0_spec, p1_spec, row_spec, w_spec, w_spec],
        out_specs=pl.BlockSpec((blk, outd), lambda i: (i, 0)),
        out_shape=jax.ShapeDtypeStruct((n, outd), jnp.float32),
    )(partials, partials, features, W1, W2)


def kernel(features, edge_index, W1, W2):
    n, D = features.shape
    E = edge_index.shape[1]
    n_pad = ((n + 1 + NS * 8 - 1) // (NS * 8)) * (NS * 8)

    per_pair = pl.cdiv(E, NS * CHUNK)
    ch0 = int(round(per_pair * F0))
    ch1 = per_pair - ch0

    cap = NS * (ch0 + ch1) * CHUNK
    pad = cap - E
    src = jnp.concatenate([edge_index[0], jnp.zeros((pad,), jnp.int32)])
    dst = jnp.concatenate([edge_index[1], jnp.full((pad,), n, jnp.int32)])
    b = NS * ch0 * CHUNK
    src0 = src[:b].reshape(NS, ch0, CHUNK)
    dst0 = dst[:b].reshape(NS, ch0, CHUNK)
    src1 = src[b:].reshape(NS, ch1, CHUNK)
    dst1 = dst[b:].reshape(NS, ch1, CHUNK)

    partials = _sc_aggregate(features, src0, dst0, src1, dst1,
                             n_pad, ch0, ch1)
    return _tc_transform(partials, features, W1, W2)

# --- scband reference (transcript-rebuilt; emitter-appended) ---
"""Pipeline reference for scband-grec-layer-1683627180108 (READ-ONLY COPY).

The authoritative reference and input builder live on the scoring server;
editing this copy changes nothing except your own understanding.
"""

import jax, jax.numpy as jnp
import numpy as np

N = 10000
E = 320000
D = 128
OUT = 128


def setup_inputs(seed: int = 0) -> dict:
    key = jax.random.key(seed)
    k1, k2, k3, k4 = jax.random.split(key, 4)
    features = jax.random.normal(k1, (N, D), dtype=jnp.float32)
    edge_index = jax.random.randint(k2, (2, E), 0, N, dtype=jnp.int32)
    W1 = jax.random.normal(k3, (D, OUT), dtype=jnp.float32) * (1.0 / np.sqrt(D))
    W2 = jax.random.normal(k4, (D, OUT), dtype=jnp.float32) * (1.0 / np.sqrt(D))
    return {"features": features, "edge_index": edge_index, "W1": W1, "W2": W2}


def reference(features, edge_index, W1, W2):
    # A @ features via gather + scatter-add (sparse adjacency matmul)
    src = edge_index[0]
    dst = edge_index[1]
    msg = jnp.take(features, src, axis=0)                      # gather: [E, D]
    neigh_sum = jax.ops.segment_sum(msg, dst, num_segments=N)  # scatter-add: [N, D]
    # get_adjacency(add_eye='after') @ features == A @ features + features
    aggregated_features = neigh_sum + features
    # get_adjacency(add_eye='none') @ features, then elementwise mult with features
    neighbor_features = neigh_sum * features
    # bias=False -> b = 0; dropout=0 -> identity
    out = jax.nn.leaky_relu(aggregated_features @ W1 + neighbor_features @ W2,
                            negative_slope=0.2)
    return out

if __name__ == "__main__":
    import jax
    _d = setup_inputs()
    print(jax.jit(kernel)(*tuple(_d.values())))

</pallas_src>

<mosaic_0001>
#map = affine_map<(d0, d1) -> (0, 0)>
#map1 = affine_map<(d0, d1) -> (0, 0, 0)>
module attributes {stable_mosaic.version = 14 : i64} {
  func.func @agg(%arg0: i32, %arg1: i32, %arg2: memref<10000x128xf32, #tpu.memory_space<hbm>>, %arg3: memref<16x118x128xi32, #tpu.memory_space<hbm>>, %arg4: memref<16x118x128xi32, #tpu.memory_space<hbm>>, %arg5: memref<16x39x128xi32, #tpu.memory_space<hbm>>, %arg6: memref<16x39x128xi32, #tpu.memory_space<hbm>>, %arg7: memref<2x10112x128xf32, #tpu.memory_space<hbm>>, %arg8: memref<118x128xi32, #tpu.memory_space<vmem>>, %arg9: memref<118x128xi32, #tpu.memory_space<vmem>>, %arg10: memref<128x128xf32, #tpu.memory_space<vmem>>, %arg11: memref<10112x128xf32, #tpu.memory_space<vmem_shared>>, %arg12: memref<!tpu.dma_semaphore, #tpu.memory_space<semaphore_mem>>, %arg13: memref<!tpu.dma_semaphore, #tpu.memory_space<semaphore_mem>>) attributes {dimension_semantics = [#tpu.dimension_semantics<core_parallel>, #tpu.dimension_semantics<subcore_parallel>], iteration_bounds = array<i64: 2, 16>, scalar_prefetch = 0 : i64, scratch_operands = 6 : i64, tpu.core_type = #tpu.core_type<sc_vector_subcore>, window_params = [{transform_indices = #map}, {transform_indices = #map1}, {transform_indices = #map1}, {transform_indices = #map1}, {transform_indices = #map1}, {transform_indices = #map1}]} {
    %mul3A = arith.constant 632 : i32
    %mul3A_0 = arith.muli %arg1, %mul3A : i32
    %broadcast_in_dim3A = arith.constant 0.000000e+00 : f32
    %broadcast_in_dim3A_1 = vector.broadcast %broadcast_in_dim3A : f32 to vector<16xf32>
    %scan3A = arith.constant 0 : i32
    %scan3A_2 = arith.constant 0 : i32
    %scan3A_3 = arith.constant 128 : i32
    %scan3A_4 = arith.addi %scan3A_2, %scan3A_3 : i32
    %scan3A_5 = arith.constant 1 : i32
    scf.for %scan3A_33 = %scan3A_2 to %scan3A_4 step %scan3A_5  : i32 {
      %swap3A = arith.index_cast %scan3A_33 : i32 to index
      %swap3A_34 = arith.constant 0 : index
      %swap3A_35 = tpu.vector_load %arg10[%swap3A, %swap3A_34] {strides = array<i32>} : memref<128x128xf32, #tpu.memory_space<vmem>>, vector<1x16xf32>,
      %swap3A_36 = vector.shape_cast %swap3A_35 : vector<1x16xf32> to vector<16xf32>
      %swap3A_37 = vector.shape_cast %broadcast_in_dim3A_1 : vector<16xf32> to vector<1x16xf32>
      tpu.vector_store %arg10[%swap3A, %swap3A_34], %swap3A_37 {strides = array<i32>} : memref<128x128xf32, #tpu.memory_space<vmem>>, vector<1x16xf32>,
      %swap3A_38 = arith.index_cast %scan3A_33 : i32 to index
      %swap3A_39 = arith.constant 16 : index
      %swap3A_40 = tpu.vector_load %arg10[%swap3A_38, %swap3A_39] {strides = array<i32>} : memref<128x128xf32, #tpu.memory_space<vmem>>, vector<1x16xf32>,
      %swap3A_41 = vector.shape_cast %swap3A_40 : vector<1x16xf32> to vector<16xf32>
      %swap3A_42 = vector.shape_cast %broadcast_in_dim3A_1 : vector<16xf32> to vector<1x16xf32>
      tpu.vector_store %arg10[%swap3A_38, %swap3A_39], %swap3A_42 {strides = array<i32>} : memref<128x128xf32, #tpu.memory_space<vmem>>, vector<1x16xf32>,
      %swap3A_43 = arith.index_cast %scan3A_33 : i32 to index
      %swap3A_44 = arith.constant 32 : index
      %swap3A_45 = tpu.vector_load %arg10[%swap3A_43, %swap3A_44] {strides = array<i32>} : memref<128x128xf32, #tpu.memory_space<vmem>>, vector<1x16xf32>,
      %swap3A_46 = vector.shape_cast %swap3A_45 : vector<1x16xf32> to vector<16xf32>
      %swap3A_47 = vector.shape_cast %broadcast_in_dim3A_1 : vector<16xf32> to vector<1x16xf32>
      tpu.vector_store %arg10[%swap3A_43, %swap3A_44], %swap3A_47 {strides = array<i32>} : memref<128x128xf32, #tpu.memory_space<vmem>>, vector<1x16xf32>,
      %swap3A_48 = arith.index_cast %scan3A_33 : i32 to index
      %swap3A_49 = arith.constant 48 : index
      %swap3A_50 = tpu.vector_load %arg10[%swap3A_48, %swap3A_49] {strides = array<i32>} : memref<128x128xf32, #tpu.memory_space<vmem>>, vector<1x16xf32>,
      %swap3A_51 = vector.shape_cast %swap3A_50 : vector<1x16xf32> to vector<16xf32>
      %swap3A_52 = vector.shape_cast %broadcast_in_dim3A_1 : vector<16xf32> to vector<1x16xf32>
      tpu.vector_store %arg10[%swap3A_48, %swap3A_49], %swap3A_52 {strides = array<i32>} : memref<128x128xf32, #tpu.memory_space<vmem>>, vector<1x16xf32>,
      %swap3A_53 = arith.index_cast %scan3A_33 : i32 to index
      %swap3A_54 = arith.constant 64 : index
      %swap3A_55 = tpu.vector_load %arg10[%swap3A_53, %swap3A_54] {strides = array<i32>} : memref<128x128xf32, #tpu.memory_space<vmem>>, vector<1x16xf32>,
      %swap3A_56 = vector.shape_cast %swap3A_55 : vector<1x16xf32> to vector<16xf32>
      %swap3A_57 = vector.shape_cast %broadcast_in_dim3A_1 : vector<16xf32> to vector<1x16xf32>
      tpu.vector_store %arg10[%swap3A_53, %swap3A_54], %swap3A_57 {strides = array<i32>} : memref<128x128xf32, #tpu.memory_space<vmem>>, vector<1x16xf32>,
      %swap3A_58 = arith.index_cast %scan3A_33 : i32 to index
      %swap3A_59 = arith.constant 80 : index
      %swap3A_60 = tpu.vector_load %arg10[%swap3A_58, %swap3A_59] {strides = array<i32>} : memref<128x128xf32, #tpu.memory_space<vmem>>, vector<1x16xf32>,
      %swap3A_61 = vector.shape_cast %swap3A_60 : vector<1x16xf32> to vector<16xf32>
      %swap3A_62 = vector.shape_cast %broadcast_in_dim3A_1 : vector<16xf32> to vector<1x16xf32>
      tpu.vector_store %arg10[%swap3A_58, %swap3A_59], %swap3A_62 {strides = array<i32>} : memref<128x128xf32, #tpu.memory_space<vmem>>, vector<1x16xf32>,
      %swap3A_63 = arith.index_cast %scan3A_33 : i32 to index
      %swap3A_64 = arith.constant 96 : index
      %swap3A_65 = tpu.vector_load %arg10[%swap3A_63, %swap3A_64] {strides = array<i32>} : memref<128x128xf32, #tpu.memory_space<vmem>>, vector<1x16xf32>,
      %swap3A_66 = vector.shape_cast %swap3A_65 : vector<1x16xf32> to vector<16xf32>
      %swap3A_67 = vector.shape_cast %broadcast_in_dim3A_1 : vector<16xf32> to vector<1x16xf32>
      tpu.vector_store %arg10[%swap3A_63, %swap3A_64], %swap3A_67 {strides = array<i32>} : memref<128x128xf32, #tpu.memory_space<vmem>>, vector<1x16xf32>,
      %swap3A_68 = arith.index_cast %scan3A_33 : i32 to index
      %swap3A_69 = arith.constant 112 : index
      %swap3A_70 = tpu.vector_load %arg10[%swap3A_68, %swap3A_69] {strides = array<i32>} : memref<128x128xf32, #tpu.memory_space<vmem>>, vector<1x16xf32>,
      %swap3A_71 = vector.shape_cast %swap3A_70 : vector<1x16xf32> to vector<16xf32>
      %swap3A_72 = vector.shape_cast %broadcast_in_dim3A_1 : vector<16xf32> to vector<1x16xf32>
      tpu.vector_store %arg10[%swap3A_68, %swap3A_69], %swap3A_72 {strides = array<i32>} : memref<128x128xf32, #tpu.memory_space<vmem>>, vector<1x16xf32>,
    }
    %scan3A_6 = arith.constant 128 : i32
    %add3A = arith.constant 0 : i32
    %add3A_7 = arith.addi %mul3A_0, %add3A : i32
    "tpu.region"() ({
      %run_scoped3A = tpu.sem_alloc : memref<!tpu.dma_semaphore, #tpu.memory_space<semaphore_mem>>
      %dma_start3A = arith.constant 0 : i32
      %dma_start3A_33 = arith.constant 0 : i32
      %dma_start3A_34 = tpu.memref_slice %arg10[%dma_start3A, %dma_start3A_33] : memref<128x128xf32, #tpu.memory_space<vmem>> -> memref<128x128xf32, #tpu.memory_space<vmem>>
      %dma_start3A_35 = arith.constant 0 : i32
      %dma_start3A_36 = tpu.memref_slice %arg11[%add3A_7, %dma_start3A_35] : memref<10112x128xf32, #tpu.memory_space<vmem_shared>> -> memref<128x128xf32, #tpu.memory_space<vmem_shared>>
      %dma_start3A_37 = arith.constant 0 : i32
      %dma_start3A_38 = tpu.memref_slice %arg11[%add3A_7, %dma_start3A_37] : memref<10112x128xf32, #tpu.memory_space<vmem_shared>> -> memref<128x128xf32, #tpu.memory_space<vmem_shared>>
      %dma_start3A_39 = arith.constant 0 : i32
      %dma_start3A_40 = arith.constant 0 : i32
      %dma_start3A_41 = tpu.memref_slice %arg10[%dma_start3A_39, %dma_start3A_40] : memref<128x128xf32, #tpu.memory_space<vmem>> -> memref<128x128xf32, #tpu.memory_space<vmem>>
      tpu.enqueue_dma source(%dma_start3A_41 : memref<128x128xf32, #tpu.memory_space<vmem>>) target(%dma_start3A_38 : memref<128x128xf32, #tpu.memory_space<vmem_shared>>) target_semaphore(%run_scoped3A : memref<!tpu.dma_semaphore, #tpu.memory_space<semaphore_mem>>)
      %dma_wait3A = arith.constant 0 : i32
      %dma_wait3A_42 = arith.constant 0 : i32
      %dma_wait3A_43 = tpu.memref_slice %arg10[%dma_wait3A, %dma_wait3A_42] : memref<128x128xf32, #tpu.memory_space<vmem>> -> memref<128x128xf32, #tpu.memory_space<vmem>>
      %dma_wait3A_44 = arith.constant 0 : i32
      %dma_wait3A_45 = tpu.memref_slice %arg11[%add3A_7, %dma_wait3A_44] : memref<10112x128xf32, #tpu.memory_space<vmem_shared>> -> memref<128x128xf32, #tpu.memory_space<vmem_shared>>
      %dma_wait3A_46 = arith.constant 0 : i32
      %dma_wait3A_47 = tpu.memref_slice %arg11[%add3A_7, %dma_wait3A_46] : memref<10112x128xf32, #tpu.memory_space<vmem_shared>> -> memref<128x128xf32, #tpu.memory_space<vmem_shared>>
      %dma_wait3A_48 = arith.constant 0 : i32
      %dma_wait3A_49 = arith.constant 0 : i32
      %dma_wait3A_50 = tpu.memref_slice %arg10[%dma_wait3A_48, %dma_wait3A_49] : memref<128x128xf32, #tpu.memory_space<vmem>> -> memref<128x128xf32, #tpu.memory_space<vmem>>
      tpu.wait_dma2 semaphore(%run_scoped3A : memref<!tpu.dma_semaphore, #tpu.memory_space<semaphore_mem>>) src(%dma_wait3A_50 : memref<128x128xf32, #tpu.memory_space<vmem>>) dst(%dma_wait3A_47 : memref<128x128xf32, #tpu.memory_space<vmem_shared>>)
      tpu.yield
    }) : () -> ()
    %add3A_8 = arith.constant 128 : i32
    %add3A_9 = arith.addi %mul3A_0, %add3A_8 : i32
    "tpu.region"() ({
      %run_scoped3A = tpu.sem_alloc : memref<!tpu.dma_semaphore, #tpu.memory_space<semaphore_mem>>
      %dma_start3A = arith.constant 0 : i32
      %dma_start3A_33 = arith.constant 0 : i32
      %dma_start3A_34 = tpu.memref_slice %arg10[%dma_start3A, %dma_start3A_33] : memref<128x128xf32, #tpu.memory_space<vmem>> -> memref<128x128xf32, #tpu.memory_space<vmem>>
      %dma_start3A_35 = arith.constant 0 : i32
      %dma_start3A_36 = tpu.memref_slice %arg11[%add3A_9, %dma_start3A_35] : memref<10112x128xf32, #tpu.memory_space<vmem_shared>> -> memref<128x128xf32, #tpu.memory_space<vmem_shared>>
      %dma_start3A_37 = arith.constant 0 : i32
      %dma_start3A_38 = tpu.memref_slice %arg11[%add3A_9, %dma_start3A_37] : memref<10112x128xf32, #tpu.memory_space<vmem_shared>> -> memref<128x128xf32, #tpu.memory_space<vmem_shared>>
      %dma_start3A_39 = arith.constant 0 : i32
      %dma_start3A_40 = arith.constant 0 : i32
      %dma_start3A_41 = tpu.memref_slice %arg10[%dma_start3A_39, %dma_start3A_40] : memref<128x128xf32, #tpu.memory_space<vmem>> -> memref<128x128xf32, #tpu.memory_space<vmem>>
      tpu.enqueue_dma source(%dma_start3A_41 : memref<128x128xf32, #tpu.memory_space<vmem>>) target(%dma_start3A_38 : memref<128x128xf32, #tpu.memory_space<vmem_shared>>) target_semaphore(%run_scoped3A : memref<!tpu.dma_semaphore, #tpu.memory_space<semaphore_mem>>)
      %dma_wait3A = arith.constant 0 : i32
      %dma_wait3A_42 = arith.constant 0 : i32
      %dma_wait3A_43 = tpu.memref_slice %arg10[%dma_wait3A, %dma_wait3A_42] : memref<128x128xf32, #tpu.memory_space<vmem>> -> memref<128x128xf32, #tpu.memory_space<vmem>>
      %dma_wait3A_44 = arith.constant 0 : i32
      %dma_wait3A_45 = tpu.memref_slice %arg11[%add3A_9, %dma_wait3A_44] : memref<10112x128xf32, #tpu.memory_space<vmem_shared>> -> memref<128x128xf32, #tpu.memory_space<vmem_shared>>
      %dma_wait3A_46 = arith.constant 0 : i32
      %dma_wait3A_47 = tpu.memref_slice %arg11[%add3A_9, %dma_wait3A_46] : memref<10112x128xf32, #tpu.memory_space<vmem_shared>> -> memref<128x128xf32, #tpu.memory_space<vmem_shared>>
      %dma_wait3A_48 = arith.constant 0 : i32
      %dma_wait3A_49 = arith.constant 0 : i32
      %dma_wait3A_50 = tpu.memref_slice %arg10[%dma_wait3A_48, %dma_wait3A_49] : memref<128x128xf32, #tpu.memory_space<vmem>> -> memref<128x128xf32, #tpu.memory_space<vmem>>
      tpu.wait_dma2 semaphore(%run_scoped3A : memref<!tpu.dma_semaphore, #tpu.memory_space<semaphore_mem>>) src(%dma_wait3A_50 : memref<128x128xf32, #tpu.memory_space<vmem>>) dst(%dma_wait3A_47 : memref<128x128xf32, #tpu.memory_space<vmem_shared>>)
      tpu.yield
    }) : () -> ()
    %add3A_10 = arith.constant 256 : i32
    %add3A_11 = arith.addi %mul3A_0, %add3A_10 : i32
    "tpu.region"() ({
      %run_scoped3A = tpu.sem_alloc : memref<!tpu.dma_semaphore, #tpu.memory_space<semaphore_mem>>
      %dma_start3A = arith.constant 0 : i32
      %dma_start3A_33 = arith.constant 0 : i32
      %dma_start3A_34 = tpu.memref_slice %arg10[%dma_start3A, %dma_start3A_33] : memref<128x128xf32, #tpu.memory_space<vmem>> -> memref<128x128xf32, #tpu.memory_space<vmem>>
      %dma_start3A_35 = arith.constant 0 : i32
      %dma_start3A_36 = tpu.memref_slice %arg11[%add3A_11, %dma_start3A_35] : memref<10112x128xf32, #tpu.memory_space<vmem_shared>> -> memref<128x128xf32, #tpu.memory_space<vmem_shared>>
      %dma_start3A_37 = arith.constant 0 : i32
      %dma_start3A_38 = tpu.memref_slice %arg11[%add3A_11, %dma_start3A_37] : memref<10112x128xf32, #tpu.memory_space<vmem_shared>> -> memref<128x128xf32, #tpu.memory_space<vmem_shared>>
      %dma_start3A_39 = arith.constant 0 : i32
      %dma_start3A_40 = arith.constant 0 : i32
      %dma_start3A_41 = tpu.memref_slice %arg10[%dma_start3A_39, %dma_start3A_40] : memref<128x128xf32, #tpu.memory_space<vmem>> -> memref<128x128xf32, #tpu.memory_space<vmem>>
      tpu.enqueue_dma source(%dma_start3A_41 : memref<128x128xf32, #tpu.memory_space<vmem>>) target(%dma_start3A_38 : memref<128x128xf32, #tpu.memory_space<vmem_shared>>) target_semaphore(%run_scoped3A : memref<!tpu.dma_semaphore, #tpu.memory_space<semaphore_mem>>)
      %dma_wait3A = arith.constant 0 : i32
      %dma_wait3A_42 = arith.constant 0 : i32
      %dma_wait3A_43 = tpu.memref_slice %arg10[%dma_wait3A, %dma_wait3A_42] : memref<128x128xf32, #tpu.memory_space<vmem>> -> memref<128x128xf32, #tpu.memory_space<vmem>>
      %dma_wait3A_44 = arith.constant 0 : i32
      %dma_wait3A_45 = tpu.memref_slice %arg11[%add3A_11, %dma_wait3A_44] : memref<10112x128xf32, #tpu.memory_space<vmem_shared>> -> memref<128x128xf32, #tpu.memory_space<vmem_shared>>
      %dma_wait3A_46 = arith.constant 0 : i32
      %dma_wait3A_47 = tpu.memref_slice %arg11[%add3A_11, %dma_wait3A_46] : memref<10112x128xf32, #tpu.memory_space<vmem_shared>> -> memref<128x128xf32, #tpu.memory_space<vmem_shared>>
      %dma_wait3A_48 = arith.constant 0 : i32
      %dma_wait3A_49 = arith.constant 0 : i32
      %dma_wait3A_50 = tpu.memref_slice %arg10[%dma_wait3A_48, %dma_wait3A_49] : memref<128x128xf32, #tpu.memory_space<vmem>> -> memref<128x128xf32, #tpu.memory_space<vmem>>
      tpu.wait_dma2 semaphore(%run_scoped3A : memref<!tpu.dma_semaphore, #tpu.memory_space<semaphore_mem>>) src(%dma_wait3A_50 : memref<128x128xf32, #tpu.memory_space<vmem>>) dst(%dma_wait3A_47 : memref<128x128xf32, #tpu.memory_space<vmem_shared>>)
      tpu.yield
    }) : () -> ()
    %add3A_12 = arith.constant 384 : i32
    %add3A_13 = arith.addi %mul3A_0, %add3A_12 : i32
    "tpu.region"() ({
      %run_scoped3A = tpu.sem_alloc : memref<!tpu.dma_semaphore, #tpu.memory_space<semaphore_mem>>
      %dma_start3A = arith.constant 0 : i32
      %dma_start3A_33 = arith.constant 0 : i32
      %dma_start3A_34 = tpu.memref_slice %arg10[%dma_start3A, %dma_start3A_33] : memref<128x128xf32, #tpu.memory_space<vmem>> -> memref<128x128xf32, #tpu.memory_space<vmem>>
      %dma_start3A_35 = arith.constant 0 : i32
      %dma_start3A_36 = tpu.memref_slice %arg11[%add3A_13, %dma_start3A_35] : memref<10112x128xf32, #tpu.memory_space<vmem_shared>> -> memref<128x128xf32, #tpu.memory_space<vmem_shared>>
      %dma_start3A_37 = arith.constant 0 : i32
      %dma_start3A_38 = tpu.memref_slice %arg11[%add3A_13, %dma_start3A_37] : memref<10112x128xf32, #tpu.memory_space<vmem_shared>> -> memref<128x128xf32, #tpu.memory_space<vmem_shared>>
      %dma_start3A_39 = arith.constant 0 : i32
      %dma_start3A_40 = arith.constant 0 : i32
      %dma_start3A_41 = tpu.memref_slice %arg10[%dma_start3A_39, %dma_start3A_40] : memref<128x128xf32, #tpu.memory_space<vmem>> -> memref<128x128xf32, #tpu.memory_space<vmem>>
      tpu.enqueue_dma source(%dma_start3A_41 : memref<128x128xf32, #tpu.memory_space<vmem>>) target(%dma_start3A_38 : memref<128x128xf32, #tpu.memory_space<vmem_shared>>) target_semaphore(%run_scoped3A : memref<!tpu.dma_semaphore, #tpu.memory_space<semaphore_mem>>)
      %dma_wait3A = arith.constant 0 : i32
      %dma_wait3A_42 = arith.constant 0 : i32
      %dma_wait3A_43 = tpu.memref_slice %arg10[%dma_wait3A, %dma_wait3A_42] : memref<128x128xf32, #tpu.memory_space<vmem>> -> memref<128x128xf32, #tpu.memory_space<vmem>>
      %dma_wait3A_44 = arith.constant 0 : i32
      %dma_wait3A_45 = tpu.memref_slice %arg11[%add3A_13, %dma_wait3A_44] : memref<10112x128xf32, #tpu.memory_space<vmem_shared>> -> memref<128x128xf32, #tpu.memory_space<vmem_shared>>
      %dma_wait3A_46 = arith.constant 0 : i32
      %dma_wait3A_47 = tpu.memref_slice %arg11[%add3A_13, %dma_wait3A_46] : memref<10112x128xf32, #tpu.memory_space<vmem_shared>> -> memref<128x128xf32, #tpu.memory_space<vmem_shared>>
      %dma_wait3A_48 = arith.constant 0 : i32
      %dma_wait3A_49 = arith.constant 0 : i32
      %dma_wait3A_50 = tpu.memref_slice %arg10[%dma_wait3A_48, %dma_wait3A_49] : memref<128x128xf32, #tpu.memory_space<vmem>> -> memref<128x128xf32, #tpu.memory_space<vmem>>
      tpu.wait_dma2 semaphore(%run_scoped3A : memref<!tpu.dma_semaphore, #tpu.memory_space<semaphore_mem>>) src(%dma_wait3A_50 : memref<128x128xf32, #tpu.memory_space<vmem>>) dst(%dma_wait3A_47 : memref<128x128xf32, #tpu.memory_space<vmem_shared>>)
      tpu.yield
    }) : () -> ()
    %add3A_14 = arith.constant 512 : i32
    %add3A_15 = arith.addi %mul3A_0, %add3A_14 : i32
    "tpu.region"() ({
      %run_scoped3A = tpu.sem_alloc : memref<!tpu.dma_semaphore, #tpu.memory_space<semaphore_mem>>
      %dma_start3A = arith.constant 0 : i32
      %dma_start3A_33 = arith.constant 0 : i32
      %dma_start3A_34 = tpu.memref_slice %arg10[%dma_start3A, %dma_start3A_33] : memref<128x128xf32, #tpu.memory_space<vmem>> -> memref<120x128xf32, #tpu.memory_space<vmem>>
      %dma_start3A_35 = arith.constant 0 : i32
      %dma_start3A_36 = tpu.memref_slice %arg11[%add3A_15, %dma_start3A_35] : memref<10112x128xf32, #tpu.memory_space<vmem_shared>> -> memref<120x128xf32, #tpu.memory_space<vmem_shared>>
      %dma_start3A_37 = arith.constant 0 : i32
      %dma_start3A_38 = tpu.memref_slice %arg11[%add3A_15, %dma_start3A_37] : memref<10112x128xf32, #tpu.memory_space<vmem_shared>> -> memref<120x128xf32, #tpu.memory_space<vmem_shared>>
      %dma_start3A_39 = arith.constant 0 : i32
      %dma_start3A_40 = arith.constant 0 : i32
      %dma_start3A_41 = tpu.memref_slice %arg10[%dma_start3A_39, %dma_start3A_40] : memref<128x128xf32, #tpu.memory_space<vmem>> -> memref<120x128xf32, #tpu.memory_space<vmem>>
      tpu.enqueue_dma source(%dma_start3A_41 : memref<120x128xf32, #tpu.memory_space<vmem>>) target(%dma_start3A_38 : memref<120x128xf32, #tpu.memory_space<vmem_shared>>) target_semaphore(%run_scoped3A : memref<!tpu.dma_semaphore, #tpu.memory_space<semaphore_mem>>)
      %dma_wait3A = arith.constant 0 : i32
      %dma_wait3A_42 = arith.constant 0 : i32
      %dma_wait3A_43 = tpu.memref_slice %arg10[%dma_wait3A, %dma_wait3A_42] : memref<128x128xf32, #tpu.memory_space<vmem>> -> memref<120x128xf32, #tpu.memory_space<vmem>>
      %dma_wait3A_44 = arith.constant 0 : i32
      %dma_wait3A_45 = tpu.memref_slice %arg11[%add3A_15, %dma_wait3A_44] : memref<10112x128xf32, #tpu.memory_space<vmem_shared>> -> memref<120x128xf32, #tpu.memory_space<vmem_shared>>
      %dma_wait3A_46 = arith.constant 0 : i32
      %dma_wait3A_47 = tpu.memref_slice %arg11[%add3A_15, %dma_wait3A_46] : memref<10112x128xf32, #tpu.memory_space<vmem_shared>> -> memref<120x128xf32, #tpu.memory_space<vmem_shared>>
      %dma_wait3A_48 = arith.constant 0 : i32
      %dma_wait3A_49 = arith.constant 0 : i32
      %dma_wait3A_50 = tpu.memref_slice %arg10[%dma_wait3A_48, %dma_wait3A_49] : memref<128x128xf32, #tpu.memory_space<vmem>> -> memref<120x128xf32, #tpu.memory_space<vmem>>
      tpu.wait_dma2 semaphore(%run_scoped3A : memref<!tpu.dma_semaphore, #tpu.memory_space<semaphore_mem>>) src(%dma_wait3A_50 : memref<120x128xf32, #tpu.memory_space<vmem>>) dst(%dma_wait3A_47 : memref<120x128xf32, #tpu.memory_space<vmem_shared>>)
      tpu.yield
    }) : () -> ()
    %eq3A = arith.constant 0 : i32
    %eq3A_16 = arith.cmpi eq, %arg0, %eq3A : i32
    %convert_element_type3A = arith.extui %eq3A_16 : i1 to i32
    %cond3A = arith.constant 0 : i32
    %cond3A_17 = arith.cmpi ne, %convert_element_type3A, %cond3A : i32
    scf.if %cond3A_17 {
      "tpu.region"() ({
        %run_scoped3A = tpu.sem_alloc : memref<!tpu.dma_semaphore, #tpu.memory_space<semaphore_mem>>
        %dma_start3A = arith.constant 0 : i32
        %dma_start3A_33 = arith.constant 0 : i32
        %dma_start3A_34 = tpu.memref_slice %arg8[%dma_start3A, %dma_start3A_33] : memref<118x128xi32, #tpu.memory_space<vmem>> -> memref<118x128xi32, #tpu.memory_space<vmem>>
        %dma_start3A_35 = arith.constant 0 : i32
        %dma_start3A_36 = arith.constant 0 : i32
        %dma_start3A_37 = tpu.memref_slice %arg3[%arg1, %dma_start3A_35, %dma_start3A_36] : memref<16x118x128xi32, #tpu.memory_space<hbm>> -> memref<1x118x128xi32, #tpu.memory_space<hbm>>
        %dma_start3A_38 = tpu.memref_squeeze %dma_start3A_37 : memref<1x118x128xi32, #tpu.memory_space<hbm>> -> memref<118x128xi32, #tpu.memory_space<hbm>>
        %dma_start3A_39 = arith.constant 0 : i32
        %dma_start3A_40 = arith.constant 0 : i32
        %dma_start3A_41 = tpu.memref_slice %arg8[%dma_start3A_39, %dma_start3A_40] : memref<118x128xi32, #tpu.memory_space<vmem>> -> memref<118x128xi32, #tpu.memory_space<vmem>>
        %dma_start3A_42 = arith.constant 0 : i32
        %dma_start3A_43 = arith.constant 0 : i32
        %dma_start3A_44 = tpu.memref_slice %arg3[%arg1, %dma_start3A_42, %dma_start3A_43] : memref<16x118x128xi32, #tpu.memory_space<hbm>> -> memref<1x118x128xi32, #tpu.memory_space<hbm>>
        %dma_start3A_45 = tpu.memref_squeeze %dma_start3A_44 : memref<1x118x128xi32, #tpu.memory_space<hbm>> -> memref<118x128xi32, #tpu.memory_space<hbm>>
        tpu.enqueue_dma source(%dma_start3A_45 : memref<118x128xi32, #tpu.memory_space<hbm>>) target(%dma_start3A_41 : memref<118x128xi32, #tpu.memory_space<vmem>>) target_semaphore(%run_scoped3A : memref<!tpu.dma_semaphore, #tpu.memory_space<semaphore_mem>>)
        %dma_wait3A = arith.constant 0 : i32
        %dma_wait3A_46 = arith.constant 0 : i32
        %dma_wait3A_47 = tpu.memref_slice %arg8[%dma_wait3A, %dma_wait3A_46] : memref<118x128xi32, #tpu.memory_space<vmem>> -> memref<118x128xi32, #tpu.memory_space<vmem>>
        %dma_wait3A_48 = arith.constant 0 : i32
        %dma_wait3A_49 = arith.constant 0 : i32
        %dma_wait3A_50 = tpu.memref_slice %arg3[%arg1, %dma_wait3A_48, %dma_wait3A_49] : memref<16x118x128xi32, #tpu.memory_space<hbm>> -> memref<1x118x128xi32, #tpu.memory_space<hbm>>
        %dma_wait3A_51 = tpu.memref_squeeze %dma_wait3A_50 : memref<1x118x128xi32, #tpu.memory_space<hbm>> -> memref<118x128xi32, #tpu.memory_space<hbm>>
        %dma_wait3A_52 = arith.constant 0 : i32
        %dma_wait3A_53 = arith.constant 0 : i32
        %dma_wait3A_54 = tpu.memref_slice %arg8[%dma_wait3A_52, %dma_wait3A_53] : memref<118x128xi32, #tpu.memory_space<vmem>> -> memref<118x128xi32, #tpu.memory_space<vmem>>
        %dma_wait3A_55 = arith.constant 0 : i32
        %dma_wait3A_56 = arith.constant 0 : i32
        %dma_wait3A_57 = tpu.memref_slice %arg3[%arg1, %dma_wait3A_55, %dma_wait3A_56] : memref<16x118x128xi32, #tpu.memory_space<hbm>> -> memref<1x118x128xi32, #tpu.memory_space<hbm>>
        %dma_wait3A_58 = tpu.memref_squeeze %dma_wait3A_57 : memref<1x118x128xi32, #tpu.memory_space<hbm>> -> memref<118x128xi32, #tpu.memory_space<hbm>>
        tpu.wait_dma2 semaphore(%run_scoped3A : memref<!tpu.dma_semaphore, #tpu.memory_space<semaphore_mem>>) src(%dma_wait3A_58 : memref<118x128xi32, #tpu.memory_space<hbm>>) dst(%dma_wait3A_54 : memref<118x128xi32, #tpu.memory_space<vmem>>)
        tpu.yield
      }) : () -> ()
      "tpu.region"() ({
        %run_scoped3A = tpu.sem_alloc : memref<!tpu.dma_semaphore, #tpu.memory_space<semaphore_mem>>
        %dma_start3A = arith.constant 0 : i32
        %dma_start3A_33 = arith.constant 0 : i32
        %dma_start3A_34 = tpu.memref_slice %arg9[%dma_start3A, %dma_start3A_33] : memref<118x128xi32, #tpu.memory_space<vmem>> -> memref<118x128xi32, #tpu.memory_space<vmem>>
        %dma_start3A_35 = arith.constant 0 : i32
        %dma_start3A_36 = arith.constant 0 : i32
        %dma_start3A_37 = tpu.memref_slice %arg4[%arg1, %dma_start3A_35, %dma_start3A_36] : memref<16x118x128xi32, #tpu.memory_space<hbm>> -> memref<1x118x128xi32, #tpu.memory_space<hbm>>
        %dma_start3A_38 = tpu.memref_squeeze %dma_start3A_37 : memref<1x118x128xi32, #tpu.memory_space<hbm>> -> memref<118x128xi32, #tpu.memory_space<hbm>>
        %dma_start3A_39 = arith.constant 0 : i32
        %dma_start3A_40 = arith.constant 0 : i32
        %dma_start3A_41 = tpu.memref_slice %arg9[%dma_start3A_39, %dma_start3A_40] : memref<118x128xi32, #tpu.memory_space<vmem>> -> memref<118x128xi32, #tpu.memory_space<vmem>>
        %dma_start3A_42 = arith.constant 0 : i32
        %dma_start3A_43 = arith.constant 0 : i32
        %dma_start3A_44 = tpu.memref_slice %arg4[%arg1, %dma_start3A_42, %dma_start3A_43] : memref<16x118x128xi32, #tpu.memory_space<hbm>> -> memref<1x118x128xi32, #tpu.memory_space<hbm>>
        %dma_start3A_45 = tpu.memref_squeeze %dma_start3A_44 : memref<1x118x128xi32, #tpu.memory_space<hbm>> -> memref<118x128xi32, #tpu.memory_space<hbm>>
        tpu.enqueue_dma source(%dma_start3A_45 : memref<118x128xi32, #tpu.memory_space<hbm>>) target(%dma_start3A_41 : memref<118x128xi32, #tpu.memory_space<vmem>>) target_semaphore(%run_scoped3A : memref<!tpu.dma_semaphore, #tpu.memory_space<semaphore_mem>>)
        %dma_wait3A = arith.constant 0 : i32
        %dma_wait3A_46 = arith.constant 0 : i32
        %dma_wait3A_47 = tpu.memref_slice %arg9[%dma_wait3A, %dma_wait3A_46] : memref<118x128xi32, #tpu.memory_space<vmem>> -> memref<118x128xi32, #tpu.memory_space<vmem>>
        %dma_wait3A_48 = arith.constant 0 : i32
        %dma_wait3A_49 = arith.constant 0 : i32
        %dma_wait3A_50 = tpu.memref_slice %arg4[%arg1, %dma_wait3A_48, %dma_wait3A_49] : memref<16x118x128xi32, #tpu.memory_space<hbm>> -> memref<1x118x128xi32, #tpu.memory_space<hbm>>
        %dma_wait3A_51 = tpu.memref_squeeze %dma_wait3A_50 : memref<1x118x128xi32, #tpu.memory_space<hbm>> -> memref<118x128xi32, #tpu.memory_space<hbm>>
        %dma_wait3A_52 = arith.constant 0 : i32
        %dma_wait3A_53 = arith.constant 0 : i32
        %dma_wait3A_54 = tpu.memref_slice %arg9[%dma_wait3A_52, %dma_wait3A_53] : memref<118x128xi32, #tpu.memory_space<vmem>> -> memref<118x128xi32, #tpu.memory_space<vmem>>
        %dma_wait3A_55 = arith.constant 0 : i32
        %dma_wait3A_56 = arith.constant 0 : i32
        %dma_wait3A_57 = tpu.memref_slice %arg4[%arg1, %dma_wait3A_55, %dma_wait3A_56] : memref<16x118x128xi32, #tpu.memory_space<hbm>> -> memref<1x118x128xi32, #tpu.memory_space<hbm>>
        %dma_wait3A_58 = tpu.memref_squeeze %dma_wait3A_57 : memref<1x118x128xi32, #tpu.memory_space<hbm>> -> memref<118x128xi32, #tpu.memory_space<hbm>>
        tpu.wait_dma2 semaphore(%run_scoped3A : memref<!tpu.dma_semaphore, #tpu.memory_space<semaphore_mem>>) src(%dma_wait3A_58 : memref<118x128xi32, #tpu.memory_space<hbm>>) dst(%dma_wait3A_54 : memref<118x128xi32, #tpu.memory_space<vmem>>)
        tpu.yield
      }) : () -> ()
    } else {
    }
    %ne3A = arith.constant 0 : i32
    %ne3A_18 = arith.cmpi ne, %arg0, %ne3A : i32
    %convert_element_type3A_19 = arith.extui %ne3A_18 : i1 to i32
    %cond3A_20 = arith.constant 0 : i32
    %cond3A_21 = arith.cmpi ne, %convert_element_type3A_19, %cond3A_20 : i32
    scf.if %cond3A_21 {
      "tpu.region"() ({
        %run_scoped3A = tpu.sem_alloc : memref<!tpu.dma_semaphore, #tpu.memory_space<semaphore_mem>>
        %dma_start3A = arith.constant 0 : i32
        %dma_start3A_33 = arith.constant 0 : i32
        %dma_start3A_34 = tpu.memref_slice %arg8[%dma_start3A, %dma_start3A_33] : memref<118x128xi32, #tpu.memory_space<vmem>> -> memref<39x128xi32, #tpu.memory_space<vmem>>
        %dma_start3A_35 = arith.constant 0 : i32
        %dma_start3A_36 = arith.constant 0 : i32
        %dma_start3A_37 = tpu.memref_slice %arg5[%arg1, %dma_start3A_35, %dma_start3A_36] : memref<16x39x128xi32, #tpu.memory_space<hbm>> -> memref<1x39x128xi32, #tpu.memory_space<hbm>>
        %dma_start3A_38 = tpu.memref_squeeze %dma_start3A_37 : memref<1x39x128xi32, #tpu.memory_space<hbm>> -> memref<39x128xi32, #tpu.memory_space<hbm>>
        %dma_start3A_39 = arith.constant 0 : i32
        %dma_start3A_40 = arith.constant 0 : i32
        %dma_start3A_41 = tpu.memref_slice %arg8[%dma_start3A_39, %dma_start3A_40] : memref<118x128xi32, #tpu.memory_space<vmem>> -> memref<39x128xi32, #tpu.memory_space<vmem>>
        %dma_start3A_42 = arith.constant 0 : i32
        %dma_start3A_43 = arith.constant 0 : i32
        %dma_start3A_44 = tpu.memref_slice %arg5[%arg1, %dma_start3A_42, %dma_start3A_43] : memref<16x39x128xi32, #tpu.memory_space<hbm>> -> memref<1x39x128xi32, #tpu.memory_space<hbm>>
        %dma_start3A_45 = tpu.memref_squeeze %dma_start3A_44 : memref<1x39x128xi32, #tpu.memory_space<hbm>> -> memref<39x128xi32, #tpu.memory_space<hbm>>
        tpu.enqueue_dma source(%dma_start3A_45 : memref<39x128xi32, #tpu.memory_space<hbm>>) target(%dma_start3A_41 : memref<39x128xi32, #tpu.memory_space<vmem>>) target_semaphore(%run_scoped3A : memref<!tpu.dma_semaphore, #tpu.memory_space<semaphore_mem>>)
        %dma_wait3A = arith.constant 0 : i32
        %dma_wait3A_46 = arith.constant 0 : i32
        %dma_wait3A_47 = tpu.memref_slice %arg8[%dma_wait3A, %dma_wait3A_46] : memref<118x128xi32, #tpu.memory_space<vmem>> -> memref<39x128xi32, #tpu.memory_space<vmem>>
        %dma_wait3A_48 = arith.constant 0 : i32
        %dma_wait3A_49 = arith.constant 0 : i32
        %dma_wait3A_50 = tpu.memref_slice %arg5[%arg1, %dma_wait3A_48, %dma_wait3A_49] : memref<16x39x128xi32, #tpu.memory_space<hbm>> -> memref<1x39x128xi32, #tpu.memory_space<hbm>>
        %dma_wait3A_51 = tpu.memref_squeeze %dma_wait3A_50 : memref<1x39x128xi32, #tpu.memory_space<hbm>> -> memref<39x128xi32, #tpu.memory_space<hbm>>
        %dma_wait3A_52 = arith.constant 0 : i32
        %dma_wait3A_53 = arith.constant 0 : i32
        %dma_wait3A_54 = tpu.memref_slice %arg8[%dma_wait3A_52, %dma_wait3A_53] : memref<118x128xi32, #tpu.memory_space<vmem>> -> memref<39x128xi32, #tpu.memory_space<vmem>>
        %dma_wait3A_55 = arith.constant 0 : i32
        %dma_wait3A_56 = arith.constant 0 : i32
        %dma_wait3A_57 = tpu.memref_slice %arg5[%arg1, %dma_wait3A_55, %dma_wait3A_56] : memref<16x39x128xi32, #tpu.memory_space<hbm>> -> memref<1x39x128xi32, #tpu.memory_space<hbm>>
        %dma_wait3A_58 = tpu.memref_squeeze %dma_wait3A_57 : memref<1x39x128xi32, #tpu.memory_space<hbm>> -> memref<39x128xi32, #tpu.memory_space<hbm>>
        tpu.wait_dma2 semaphore(%run_scoped3A : memref<!tpu.dma_semaphore, #tpu.memory_space<semaphore_mem>>) src(%dma_wait3A_58 : memref<39x128xi32, #tpu.memory_space<hbm>>) dst(%dma_wait3A_54 : memref<39x128xi32, #tpu.memory_space<vmem>>)
        tpu.yield
      }) : () -> ()
      "tpu.region"() ({
        %run_scoped3A = tpu.sem_alloc : memref<!tpu.dma_semaphore, #tpu.memory_space<semaphore_mem>>
        %dma_start3A = arith.constant 0 : i32
        %dma_start3A_33 = arith.constant 0 : i32
        %dma_start3A_34 = tpu.memref_slice %arg9[%dma_start3A, %dma_start3A_33] : memref<118x128xi32, #tpu.memory_space<vmem>> -> memref<39x128xi32, #tpu.memory_space<vmem>>
        %dma_start3A_35 = arith.constant 0 : i32
        %dma_start3A_36 = arith.constant 0 : i32
        %dma_start3A_37 = tpu.memref_slice %arg6[%arg1, %dma_start3A_35, %dma_start3A_36] : memref<16x39x128xi32, #tpu.memory_space<hbm>> -> memref<1x39x128xi32, #tpu.memory_space<hbm>>
        %dma_start3A_38 = tpu.memref_squeeze %dma_start3A_37 : memref<1x39x128xi32, #tpu.memory_space<hbm>> -> memref<39x128xi32, #tpu.memory_space<hbm>>
        %dma_start3A_39 = arith.constant 0 : i32
        %dma_start3A_40 = arith.constant 0 : i32
        %dma_start3A_41 = tpu.memref_slice %arg9[%dma_start3A_39, %dma_start3A_40] : memref<118x128xi32, #tpu.memory_space<vmem>> -> memref<39x128xi32, #tpu.memory_space<vmem>>
        %dma_start3A_42 = arith.constant 0 : i32
        %dma_start3A_43 = arith.constant 0 : i32
        %dma_start3A_44 = tpu.memref_slice %arg6[%arg1, %dma_start3A_42, %dma_start3A_43] : memref<16x39x128xi32, #tpu.memory_space<hbm>> -> memref<1x39x128xi32, #tpu.memory_space<hbm>>
        %dma_start3A_45 = tpu.memref_squeeze %dma_start3A_44 : memref<1x39x128xi32, #tpu.memory_space<hbm>> -> memref<39x128xi32, #tpu.memory_space<hbm>>
        tpu.enqueue_dma source(%dma_start3A_45 : memref<39x128xi32, #tpu.memory_space<hbm>>) target(%dma_start3A_41 : memref<39x128xi32, #tpu.memory_space<vmem>>) target_semaphore(%run_scoped3A : memref<!tpu.dma_semaphore, #tpu.memory_space<semaphore_mem>>)
        %dma_wait3A = arith.constant 0 : i32
        %dma_wait3A_46 = arith.constant 0 : i32
        %dma_wait3A_47 = tpu.memref_slice %arg9[%dma_wait3A, %dma_wait3A_46] : memref<118x128xi32, #tpu.memory_space<vmem>> -> memref<39x128xi32, #tpu.memory_space<vmem>>
        %dma_wait3A_48 = arith.constant 0 : i32
        %dma_wait3A_49 = arith.constant 0 : i32
        %dma_wait3A_50 = tpu.memref_slice %arg6[%arg1, %dma_wait3A_48, %dma_wait3A_49] : memref<16x39x128xi32, #tpu.memory_space<hbm>> -> memref<1x39x128xi32, #tpu.memory_space<hbm>>
        %dma_wait3A_51 = tpu.memref_squeeze %dma_wait3A_50 : memref<1x39x128xi32, #tpu.memory_space<hbm>> -> memref<39x128xi32, #tpu.memory_space<hbm>>
        %dma_wait3A_52 = arith.constant 0 : i32
        %dma_wait3A_53 = arith.constant 0 : i32
        %dma_wait3A_54 = tpu.memref_slice %arg9[%dma_wait3A_52, %dma_wait3A_53] : memref<118x128xi32, #tpu.memory_space<vmem>> -> memref<39x128xi32, #tpu.memory_space<vmem>>
        %dma_wait3A_55 = arith.constant 0 : i32
        %dma_wait3A_56 = arith.constant 0 : i32
        %dma_wait3A_57 = tpu.memref_slice %arg6[%arg1, %dma_wait3A_55, %dma_wait3A_56] : memref<16x39x128xi32, #tpu.memory_space<hbm>> -> memref<1x39x128xi32, #tpu.memory_space<hbm>>
        %dma_wait3A_58 = tpu.memref_squeeze %dma_wait3A_57 : memref<1x39x128xi32, #tpu.memory_space<hbm>> -> memref<39x128xi32, #tpu.memory_space<hbm>>
        tpu.wait_dma2 semaphore(%run_scoped3A : memref<!tpu.dma_semaphore, #tpu.memory_space<semaphore_mem>>) src(%dma_wait3A_58 : memref<39x128xi32, #tpu.memory_space<hbm>>) dst(%dma_wait3A_54 : memref<39x128xi32, #tpu.memory_space<vmem>>)
        tpu.yield
      }) : () -> ()
    } else {
    }
    %barrier3A = arith.constant 0 : index
    tpu.barrier barrier_id(%barrier3A)
    %eq3A_22 = arith.constant 0 : i32
    %eq3A_23 = arith.cmpi eq, %arg0, %eq3A_22 : i32
    %convert_element_type3A_24 = arith.extui %eq3A_23 : i1 to i32
    %cond3A_25 = arith.constant 0 : i32
    %cond3A_26 = arith.cmpi ne, %convert_element_type3A_24, %cond3A_25 : i32
    scf.if %cond3A_26 {
      %scan3A_33 = arith.constant 0 : i32
      %scan3A_34 = arith.constant 0 : i32
      %scan3A_35 = arith.constant 118 : i32
      %scan3A_36 = arith.addi %scan3A_34, %scan3A_35 : i32
      %scan3A_37 = arith.constant 1 : i32
      scf.for %scan3A_39 = %scan3A_34 to %scan3A_36 step %scan3A_37  : i32 {
        %dma_start3A = arith.constant 0 : i32
        %dma_start3A_40 = arith.constant 0 : i32
        %dma_start3A_41 = tpu.memref_slice %arg10[%dma_start3A, %dma_start3A_40] : memref<128x128xf32, #tpu.memory_space<vmem>> -> memref<64x128xf32, #tpu.memory_space<vmem>>
        %dma_start3A_42 = arith.constant 0 : i32
        %dma_start3A_43 = tpu.memref_slice %arg8[%scan3A_39, %dma_start3A_42] : memref<118x128xi32, #tpu.memory_space<vmem>> -> memref<1x64xi32, #tpu.memory_space<vmem>>
        %dma_start3A_44 = tpu.memref_squeeze %dma_start3A_43 : memref<1x64xi32, #tpu.memory_space<vmem>> -> memref<64xi32, #tpu.memory_space<vmem>>
        %dma_start3A_45 = arith.constant 0 : i32
        %dma_start3A_46 = arith.constant 0 : i32
        %dma_start3A_47 = tpu.memref_slice %arg2[%dma_start3A_45, %dma_start3A_46] : memref<10000x128xf32, #tpu.memory_space<hbm>> -> memref<10000x128xf32, #tpu.memory_space<hbm>>
        tpu.enqueue_indirect_dma source(%dma_start3A_47 : memref<10000x128xf32, #tpu.memory_space<hbm>>) target(%dma_start3A_41 : memref<64x128xf32, #tpu.memory_space<vmem>>) offsets(%dma_start3A_44 : memref<64xi32, #tpu.memory_space<vmem>>) semaphore(%arg12 : memref<!tpu.dma_semaphore, #tpu.memory_space<semaphore_mem>>)
        %dma_start3A_48 = arith.constant 64 : i32
        %dma_start3A_49 = arith.constant 0 : i32
        %dma_start3A_50 = tpu.memref_slice %arg10[%dma_start3A_48, %dma_start3A_49] : memref<128x128xf32, #tpu.memory_space<vmem>> -> memref<64x128xf32, #tpu.memory_space<vmem>>
        %dma_start3A_51 = arith.constant 64 : i32
        %dma_start3A_52 = tpu.memref_slice %arg8[%scan3A_39, %dma_start3A_51] : memref<118x128xi32, #tpu.memory_space<vmem>> -> memref<1x64xi32, #tpu.memory_space<vmem>>
        %dma_start3A_53 = tpu.memref_squeeze %dma_start3A_52 : memref<1x64xi32, #tpu.memory_space<vmem>> -> memref<64xi32, #tpu.memory_space<vmem>>
        %dma_start3A_54 = arith.constant 0 : i32
        %dma_start3A_55 = arith.constant 0 : i32
        %dma_start3A_56 = tpu.memref_slice %arg2[%dma_start3A_54, %dma_start3A_55] : memref<10000x128xf32, #tpu.memory_space<hbm>> -> memref<10000x128xf32, #tpu.memory_space<hbm>>
        tpu.enqueue_indirect_dma source(%dma_start3A_56 : memref<10000x128xf32, #tpu.memory_space<hbm>>) target(%dma_start3A_50 : memref<64x128xf32, #tpu.memory_space<vmem>>) offsets(%dma_start3A_53 : memref<64xi32, #tpu.memory_space<vmem>>) semaphore(%arg13 : memref<!tpu.dma_semaphore, #tpu.memory_space<semaphore_mem>>)
        %dma_wait3A = arith.constant 0 : i32
        %dma_wait3A_57 = arith.constant 0 : i32
        %dma_wait3A_58 = tpu.memref_slice %arg10[%dma_wait3A, %dma_wait3A_57] : memref<128x128xf32, #tpu.memory_space<vmem>> -> memref<64x128xf32, #tpu.memory_space<vmem>>
        %dma_wait3A_59 = arith.constant 0 : i32
        %dma_wait3A_60 = tpu.memref_slice %arg8[%scan3A_39, %dma_wait3A_59] : memref<118x128xi32, #tpu.memory_space<vmem>> -> memref<1x64xi32, #tpu.memory_space<vmem>>
        %dma_wait3A_61 = tpu.memref_squeeze %dma_wait3A_60 : memref<1x64xi32, #tpu.memory_space<vmem>> -> memref<64xi32, #tpu.memory_space<vmem>>
        %dma_wait3A_62 = arith.constant 0 : i32
        %dma_wait3A_63 = arith.constant 0 : i32
        %dma_wait3A_64 = tpu.memref_slice %arg2[%dma_wait3A_62, %dma_wait3A_63] : memref<10000x128xf32, #tpu.memory_space<hbm>> -> memref<10000x128xf32, #tpu.memory_space<hbm>>
        tpu.wait_indirect_dma semaphore(%arg12 : memref<!tpu.dma_semaphore, #tpu.memory_space<semaphore_mem>>) src(%dma_wait3A_64 : memref<10000x128xf32, #tpu.memory_space<hbm>>) dst(%dma_wait3A_58 : memref<64x128xf32, #tpu.memory_space<vmem>>)
        %dma_wait3A_65 = arith.constant 64 : i32
        %dma_wait3A_66 = arith.constant 0 : i32
        %dma_wait3A_67 = tpu.memref_slice %arg10[%dma_wait3A_65, %dma_wait3A_66] : memref<128x128xf32, #tpu.memory_space<vmem>> -> memref<64x128xf32, #tpu.memory_space<vmem>>
        %dma_wait3A_68 = arith.constant 64 : i32
        %dma_wait3A_69 = tpu.memref_slice %arg8[%scan3A_39, %dma_wait3A_68] : memref<118x128xi32, #tpu.memory_space<vmem>> -> memref<1x64xi32, #tpu.memory_space<vmem>>
        %dma_wait3A_70 = tpu.memref_squeeze %dma_wait3A_69 : memref<1x64xi32, #tpu.memory_space<vmem>> -> memref<64xi32, #tpu.memory_space<vmem>>
        %dma_wait3A_71 = arith.constant 0 : i32
        %dma_wait3A_72 = arith.constant 0 : i32
        %dma_wait3A_73 = tpu.memref_slice %arg2[%dma_wait3A_71, %dma_wait3A_72] : memref<10000x128xf32, #tpu.memory_space<hbm>> -> memref<10000x128xf32, #tpu.memory_space<hbm>>
        tpu.wait_indirect_dma semaphore(%arg13 : memref<!tpu.dma_semaphore, #tpu.memory_space<semaphore_mem>>) src(%dma_wait3A_73 : memref<10000x128xf32, #tpu.memory_space<hbm>>) dst(%dma_wait3A_67 : memref<64x128xf32, #tpu.memory_space<vmem>>)
        "tpu.region"() ({
          %run_scoped3A = tpu.sem_alloc : memref<!tpu.dma_semaphore, #tpu.memory_space<semaphore_mem>>
          %dma_start3A_74 = arith.constant 0 : i32
          %dma_start3A_75 = tpu.memref_slice %arg9[%scan3A_39, %dma_start3A_74] : memref<118x128xi32, #tpu.memory_space<vmem>> -> memref<1x128xi32, #tpu.memory_space<vmem>>
          %dma_start3A_76 = tpu.memref_squeeze %dma_start3A_75 : memref<1x128xi32, #tpu.memory_space<vmem>> -> memref<128xi32, #tpu.memory_space<vmem>>
          %dma_start3A_77 = arith.constant 0 : i32
          %dma_start3A_78 = arith.constant 0 : i32
          %dma_start3A_79 = tpu.memref_slice %arg11[%dma_start3A_77, %dma_start3A_78] : memref<10112x128xf32, #tpu.memory_space<vmem_shared>> -> memref<10112x128xf32, #tpu.memory_space<vmem_shared>>
          tpu.enqueue_indirect_dma source(%arg10 : memref<128x128xf32, #tpu.memory_space<vmem>>) target(%dma_start3A_79 : memref<10112x128xf32, #tpu.memory_space<vmem_shared>>) offsets(%dma_start3A_76 : memref<128xi32, #tpu.memory_space<vmem>>) semaphore(%run_scoped3A : memref<!tpu.dma_semaphore, #tpu.memory_space<semaphore_mem>>) {add = true}
          %dma_wait3A_80 = arith.constant 0 : i32
          %dma_wait3A_81 = tpu.memref_slice %arg9[%scan3A_39, %dma_wait3A_80] : memref<118x128xi32, #tpu.memory_space<vmem>> -> memref<1x128xi32, #tpu.memory_space<vmem>>
          %dma_wait3A_82 = tpu.memref_squeeze %dma_wait3A_81 : memref<1x128xi32, #tpu.memory_space<vmem>> -> memref<128xi32, #tpu.memory_space<vmem>>
          %dma_wait3A_83 = arith.constant 0 : i32
          %dma_wait3A_84 = arith.constant 0 : i32
          %dma_wait3A_85 = tpu.memref_slice %arg11[%dma_wait3A_83, %dma_wait3A_84] : memref<10112x128xf32, #tpu.memory_space<vmem_shared>> -> memref<10112x128xf32, #tpu.memory_space<vmem_shared>>
          tpu.wait_indirect_dma semaphore(%run_scoped3A : memref<!tpu.dma_semaphore, #tpu.memory_space<semaphore_mem>>) src(%arg10 : memref<128x128xf32, #tpu.memory_space<vmem>>) dst(%dma_wait3A_85 : memref<10112x128xf32, #tpu.memory_space<vmem_shared>>)
          tpu.yield
        }) : () -> ()
      }
      %scan3A_38 = arith.constant 118 : i32
    } else {
    }
    %ne3A_27 = arith.constant 0 : i32
    %ne3A_28 = arith.cmpi ne, %arg0, %ne3A_27 : i32
    %convert_element_type3A_29 = arith.extui %ne3A_28 : i1 to i32
    %cond3A_30 = arith.constant 0 : i32
    %cond3A_31 = arith.cmpi ne, %convert_element_type3A_29, %cond3A_30 : i32
    scf.if %cond3A_31 {
      %scan3A_33 = arith.constant 0 : i32
      %scan3A_34 = arith.constant 0 : i32
      %scan3A_35 = arith.constant 39 : i32
      %scan3A_36 = arith.addi %scan3A_34, %scan3A_35 : i32
      %scan3A_37 = arith.constant 1 : i32
      scf.for %scan3A_39 = %scan3A_34 to %scan3A_36 step %scan3A_37  : i32 {
        %dma_start3A = arith.constant 0 : i32
        %dma_start3A_40 = arith.constant 0 : i32
        %dma_start3A_41 = tpu.memref_slice %arg10[%dma_start3A, %dma_start3A_40] : memref<128x128xf32, #tpu.memory_space<vmem>> -> memref<64x128xf32, #tpu.memory_space<vmem>>
        %dma_start3A_42 = arith.constant 0 : i32
        %dma_start3A_43 = tpu.memref_slice %arg8[%scan3A_39, %dma_start3A_42] : memref<118x128xi32, #tpu.memory_space<vmem>> -> memref<1x64xi32, #tpu.memory_space<vmem>>
        %dma_start3A_44 = tpu.memref_squeeze %dma_start3A_43 : memref<1x64xi32, #tpu.memory_space<vmem>> -> memref<64xi32, #tpu.memory_space<vmem>>
        %dma_start3A_45 = arith.constant 0 : i32
        %dma_start3A_46 = arith.constant 0 : i32
        %dma_start3A_47 = tpu.memref_slice %arg2[%dma_start3A_45, %dma_start3A_46] : memref<10000x128xf32, #tpu.memory_space<hbm>> -> memref<10000x128xf32, #tpu.memory_space<hbm>>
        tpu.enqueue_indirect_dma source(%dma_start3A_47 : memref<10000x128xf32, #tpu.memory_space<hbm>>) target(%dma_start3A_41 : memref<64x128xf32, #tpu.memory_space<vmem>>) offsets(%dma_start3A_44 : memref<64xi32, #tpu.memory_space<vmem>>) semaphore(%arg12 : memref<!tpu.dma_semaphore, #tpu.memory_space<semaphore_mem>>)
        %dma_start3A_48 = arith.constant 64 : i32
        %dma_start3A_49 = arith.constant 0 : i32
        %dma_start3A_50 = tpu.memref_slice %arg10[%dma_start3A_48, %dma_start3A_49] : memref<128x128xf32, #tpu.memory_space<vmem>> -> memref<64x128xf32, #tpu.memory_space<vmem>>
        %dma_start3A_51 = arith.constant 64 : i32
        %dma_start3A_52 = tpu.memref_slice %arg8[%scan3A_39, %dma_start3A_51] : memref<118x128xi32, #tpu.memory_space<vmem>> -> memref<1x64xi32, #tpu.memory_space<vmem>>
        %dma_start3A_53 = tpu.memref_squeeze %dma_start3A_52 : memref<1x64xi32, #tpu.memory_space<vmem>> -> memref<64xi32, #tpu.memory_space<vmem>>
        %dma_start3A_54 = arith.constant 0 : i32
        %dma_start3A_55 = arith.constant 0 : i32
        %dma_start3A_56 = tpu.memref_slice %arg2[%dma_start3A_54, %dma_start3A_55] : memref<10000x128xf32, #tpu.memory_space<hbm>> -> memref<10000x128xf32, #tpu.memory_space<hbm>>
        tpu.enqueue_indirect_dma source(%dma_start3A_56 : memref<10000x128xf32, #tpu.memory_space<hbm>>) target(%dma_start3A_50 : memref<64x128xf32, #tpu.memory_space<vmem>>) offsets(%dma_start3A_53 : memref<64xi32, #tpu.memory_space<vmem>>) semaphore(%arg13 : memref<!tpu.dma_semaphore, #tpu.memory_space<semaphore_mem>>)
        %dma_wait3A = arith.constant 0 : i32
        %dma_wait3A_57 = arith.constant 0 : i32
        %dma_wait3A_58 = tpu.memref_slice %arg10[%dma_wait3A, %dma_wait3A_57] : memref<128x128xf32, #tpu.memory_space<vmem>> -> memref<64x128xf32, #tpu.memory_space<vmem>>
        %dma_wait3A_59 = arith.constant 0 : i32
        %dma_wait3A_60 = tpu.memref_slice %arg8[%scan3A_39, %dma_wait3A_59] : memref<118x128xi32, #tpu.memory_space<vmem>> -> memref<1x64xi32, #tpu.memory_space<vmem>>
        %dma_wait3A_61 = tpu.memref_squeeze %dma_wait3A_60 : memref<1x64xi32, #tpu.memory_space<vmem>> -> memref<64xi32, #tpu.memory_space<vmem>>
        %dma_wait3A_62 = arith.constant 0 : i32
        %dma_wait3A_63 = arith.constant 0 : i32
        %dma_wait3A_64 = tpu.memref_slice %arg2[%dma_wait3A_62, %dma_wait3A_63] : memref<10000x128xf32, #tpu.memory_space<hbm>> -> memref<10000x128xf32, #tpu.memory_space<hbm>>
        tpu.wait_indirect_dma semaphore(%arg12 : memref<!tpu.dma_semaphore, #tpu.memory_space<semaphore_mem>>) src(%dma_wait3A_64 : memref<10000x128xf32, #tpu.memory_space<hbm>>) dst(%dma_wait3A_58 : memref<64x128xf32, #tpu.memory_space<vmem>>)
        %dma_wait3A_65 = arith.constant 64 : i32
        %dma_wait3A_66 = arith.constant 0 : i32
        %dma_wait3A_67 = tpu.memref_slice %arg10[%dma_wait3A_65, %dma_wait3A_66] : memref<128x128xf32, #tpu.memory_space<vmem>> -> memref<64x128xf32, #tpu.memory_space<vmem>>
        %dma_wait3A_68 = arith.constant 64 : i32
        %dma_wait3A_69 = tpu.memref_slice %arg8[%scan3A_39, %dma_wait3A_68] : memref<118x128xi32, #tpu.memory_space<vmem>> -> memref<1x64xi32, #tpu.memory_space<vmem>>
        %dma_wait3A_70 = tpu.memref_squeeze %dma_wait3A_69 : memref<1x64xi32, #tpu.memory_space<vmem>> -> memref<64xi32, #tpu.memory_space<vmem>>
        %dma_wait3A_71 = arith.constant 0 : i32
        %dma_wait3A_72 = arith.constant 0 : i32
        %dma_wait3A_73 = tpu.memref_slice %arg2[%dma_wait3A_71, %dma_wait3A_72] : memref<10000x128xf32, #tpu.memory_space<hbm>> -> memref<10000x128xf32, #tpu.memory_space<hbm>>
        tpu.wait_indirect_dma semaphore(%arg13 : memref<!tpu.dma_semaphore, #tpu.memory_space<semaphore_mem>>) src(%dma_wait3A_73 : memref<10000x128xf32, #tpu.memory_space<hbm>>) dst(%dma_wait3A_67 : memref<64x128xf32, #tpu.memory_space<vmem>>)
        "tpu.region"() ({
          %run_scoped3A = tpu.sem_alloc : memref<!tpu.dma_semaphore, #tpu.memory_space<semaphore_mem>>
          %dma_start3A_74 = arith.constant 0 : i32
          %dma_start3A_75 = tpu.memref_slice %arg9[%scan3A_39, %dma_start3A_74] : memref<118x128xi32, #tpu.memory_space<vmem>> -> memref<1x128xi32, #tpu.memory_space<vmem>>
          %dma_start3A_76 = tpu.memref_squeeze %dma_start3A_75 : memref<1x128xi32, #tpu.memory_space<vmem>> -> memref<128xi32, #tpu.memory_space<vmem>>
          %dma_start3A_77 = arith.constant 0 : i32
          %dma_start3A_78 = arith.constant 0 : i32
          %dma_start3A_79 = tpu.memref_slice %arg11[%dma_start3A_77, %dma_start3A_78] : memref<10112x128xf32, #tpu.memory_space<vmem_shared>> -> memref<10112x128xf32, #tpu.memory_space<vmem_shared>>
          tpu.enqueue_indirect_dma source(%arg10 : memref<128x128xf32, #tpu.memory_space<vmem>>) target(%dma_start3A_79 : memref<10112x128xf32, #tpu.memory_space<vmem_shared>>) offsets(%dma_start3A_76 : memref<128xi32, #tpu.memory_space<vmem>>) semaphore(%run_scoped3A : memref<!tpu.dma_semaphore, #tpu.memory_space<semaphore_mem>>) {add = true}
          %dma_wait3A_80 = arith.constant 0 : i32
          %dma_wait3A_81 = tpu.memref_slice %arg9[%scan3A_39, %dma_wait3A_80] : memref<118x128xi32, #tpu.memory_space<vmem>> -> memref<1x128xi32, #tpu.memory_space<vmem>>
          %dma_wait3A_82 = tpu.memref_squeeze %dma_wait3A_81 : memref<1x128xi32, #tpu.memory_space<vmem>> -> memref<128xi32, #tpu.memory_space<vmem>>
          %dma_wait3A_83 = arith.constant 0 : i32
          %dma_wait3A_84 = arith.constant 0 : i32
          %dma_wait3A_85 = tpu.memref_slice %arg11[%dma_wait3A_83, %dma_wait3A_84] : memref<10112x128xf32, #tpu.memory_space<vmem_shared>> -> memref<10112x128xf32, #tpu.memory_space<vmem_shared>>
          tpu.wait_indirect_dma semaphore(%run_scoped3A : memref<!tpu.dma_semaphore, #tpu.memory_space<semaphore_mem>>) src(%arg10 : memref<128x128xf32, #tpu.memory_space<vmem>>) dst(%dma_wait3A_85 : memref<10112x128xf32, #tpu.memory_space<vmem_shared>>)
          tpu.yield
        }) : () -> ()
      }
      %scan3A_38 = arith.constant 39 : i32
    } else {
    }
    %barrier3A_32 = arith.constant 0 : index
    tpu.barrier barrier_id(%barrier3A_32)
    "tpu.region"() ({
      %run_scoped3A = tpu.sem_alloc : memref<!tpu.dma_semaphore, #tpu.memory_space<semaphore_mem>>
      %dma_start3A = arith.constant 0 : i32
      %dma_start3A_33 = arith.constant 0 : i32
      %dma_start3A_34 = tpu.memref_slice %arg7[%arg0, %dma_start3A, %dma_start3A_33] : memref<2x10112x128xf32, #tpu.memory_space<hbm>> -> memref<1x10112x128xf32, #tpu.memory_space<hbm>>
      %dma_start3A_35 = tpu.memref_squeeze %dma_start3A_34 : memref<1x10112x128xf32, #tpu.memory_space<hbm>> -> memref<10112x128xf32, #tpu.memory_space<hbm>>
      %dma_start3A_36 = arith.constant 0 : i32
      %dma_start3A_37 = tpu.memref_slice %dma_start3A_35[%mul3A_0, %dma_start3A_36] : memref<10112x128xf32, #tpu.memory_space<hbm>> -> memref<632x128xf32, #tpu.memory_space<hbm>>
      %dma_start3A_38 = arith.constant 0 : i32
      %dma_start3A_39 = tpu.memref_slice %arg11[%mul3A_0, %dma_start3A_38] : memref<10112x128xf32, #tpu.memory_space<vmem_shared>> -> memref<632x128xf32, #tpu.memory_space<vmem_shared>>
      tpu.enqueue_dma source(%dma_start3A_39 : memref<632x128xf32, #tpu.memory_space<vmem_shared>>) target(%dma_start3A_37 : memref<632x128xf32, #tpu.memory_space<hbm>>) target_semaphore(%run_scoped3A : memref<!tpu.dma_semaphore, #tpu.memory_space<semaphore_mem>>)
      %dma_wait3A = arith.constant 0 : i32
      %dma_wait3A_40 = arith.constant 0 : i32
      %dma_wait3A_41 = tpu.memref_slice %arg7[%arg0, %dma_wait3A, %dma_wait3A_40] : memref<2x10112x128xf32, #tpu.memory_space<hbm>> -> memref<1x10112x128xf32, #tpu.memory_space<hbm>>
      %dma_wait3A_42 = tpu.memref_squeeze %dma_wait3A_41 : memref<1x10112x128xf32, #tpu.memory_space<hbm>> -> memref<10112x128xf32, #tpu.memory_space<hbm>>
      %dma_wait3A_43 = arith.constant 0 : i32
      %dma_wait3A_44 = tpu.memref_slice %dma_wait3A_42[%mul3A_0, %dma_wait3A_43] : memref<10112x128xf32, #tpu.memory_space<hbm>> -> memref<632x128xf32, #tpu.memory_space<hbm>>
      %dma_wait3A_45 = arith.constant 0 : i32
      %dma_wait3A_46 = tpu.memref_slice %arg11[%mul3A_0, %dma_wait3A_45] : memref<10112x128xf32, #tpu.memory_space<vmem_shared>> -> memref<632x128xf32, #tpu.memory_space<vmem_shared>>
      tpu.wait_dma2 semaphore(%run_scoped3A : memref<!tpu.dma_semaphore, #tpu.memory_space<semaphore_mem>>) src(%dma_wait3A_46 : memref<632x128xf32, #tpu.memory_space<vmem_shared>>) dst(%dma_wait3A_44 : memref<632x128xf32, #tpu.memory_space<hbm>>)
      tpu.yield
    }) : () -> ()
    return
  }
}

module attributes {stable_mosaic.version = 14 : i64} {
  func.func @body(%arg0: i32, %arg1: memref<1x1000x128xf32, #tpu.memory_space<vmem>>, %arg2: memref<1x1000x128xf32, #tpu.memory_space<vmem>>, %arg3: memref<1000x128xf32, #tpu.memory_space<vmem>>, %arg4: memref<128x128xf32, #tpu.memory_space<vmem>>, %arg5: memref<128x128xf32, #tpu.memory_space<vmem>>, %arg6: memref<1000x128xf32, #tpu.memory_space<vmem>>) attributes {dimension_semantics = [#tpu.dimension_semantics<arbitrary>], iteration_bounds = array<i64: 10>, scalar_prefetch = 0 : i64, scratch_operands = 0 : i64, tpu.core_type = #tpu.core_type<tc>, window_params = [{transform_indices = @transform_0, window_bounds = array<i64: 1, 1000, 128>}, {transform_indices = @transform_1, window_bounds = array<i64: 1, 1000, 128>}, {transform_indices = @transform_2, window_bounds = array<i64: 1000, 128>}, {pipeline_mode = #tpu.pipeline_mode<synchronous>, transform_indices = @transform_3, window_bounds = array<i64: 128, 128>}, {pipeline_mode = #tpu.pipeline_mode<synchronous>, transform_indices = @transform_4, window_bounds = array<i64: 128, 128>}, {transform_indices = @transform_5, window_bounds = array<i64: 1000, 128>}]} {
    %get3A = arith.constant 0 : index
    %get3A_0 = arith.constant 0 : index
    %get3A_1 = arith.constant 0 : index
    %get3A_2 = vector.load %arg1[%get3A, %get3A_0, %get3A_1] : memref<1x1000x128xf32, #tpu.memory_space<vmem>>, vector<1x1000x128xf32>
    %get3A_3 = vector.shape_cast %get3A_2 : vector<1x1000x128xf32> to vector<1000x128xf32>
    %get3A_4 = arith.constant 0 : index
    %get3A_5 = arith.constant 0 : index
    %get3A_6 = arith.constant 0 : index
    %get3A_7 = vector.load %arg2[%get3A_4, %get3A_5, %get3A_6] : memref<1x1000x128xf32, #tpu.memory_space<vmem>>, vector<1x1000x128xf32>
    %get3A_8 = vector.shape_cast %get3A_7 : vector<1x1000x128xf32> to vector<1000x128xf32>
    %add3A = arith.addf %get3A_3, %get3A_8 : vector<1000x128xf32>
    %get3A_9 = arith.constant 0 : index
    %get3A_10 = arith.constant 0 : index
    %get3A_11 = vector.load %arg3[%get3A_9, %get3A_10] : memref<1000x128xf32, #tpu.memory_space<vmem>>, vector<1000x128xf32>
    %add3A_12 = arith.addf %add3A, %get3A_11 : vector<1000x128xf32>
    %get3A_13 = arith.constant 0 : index
    %get3A_14 = arith.constant 0 : index
    %get3A_15 = vector.load %arg4[%get3A_13, %get3A_14] : memref<128x128xf32, #tpu.memory_space<vmem>>, vector<128x128xf32>
    %dot_general3A = arith.constant dense<0.000000e+00> : vector<1000x128xf32>
    %dot_general3A_16 = tpu.matmul %add3A_12, %get3A_15, %dot_general3A {dimension_numbers = #tpu.dot_dimension_numbers<[1], [0], [0], [1], [0, 0, 1, 1], [], []>, transpose_lhs_hint = false} : vector<1000x128xf32>, vector<128x128xf32>, vector<1000x128xf32> -> vector<1000x128xf32>
    %mul3A = arith.mulf %add3A, %get3A_11 : vector<1000x128xf32>
    %get3A_17 = arith.constant 0 : index
    %get3A_18 = arith.constant 0 : index
    %get3A_19 = vector.load %arg5[%get3A_17, %get3A_18] : memref<128x128xf32, #tpu.memory_space<vmem>>, vector<128x128xf32>
    %dot_general3A_20 = arith.constant dense<0.000000e+00> : vector<1000x128xf32>
    %dot_general3A_21 = tpu.matmul %mul3A, %get3A_19, %dot_general3A_20 {dimension_numbers = #tpu.dot_dimension_numbers<[1], [0], [0], [1], [0, 0, 1, 1], [], []>, transpose_lhs_hint = false} : vector<1000x128xf32>, vector<128x128xf32>, vector<1000x128xf32> -> vector<1000x128xf32>
    %add3A_22 = arith.addf %dot_general3A_16, %dot_general3A_21 : vector<1000x128xf32>
    %ge3A = arith.constant 0.000000e+00 : f32
    %ge3A_23 = vector.broadcast %ge3A : f32 to vector<1000x128xf32>
    %ge3A_24 = arith.cmpf oge, %add3A_22, %ge3A_23 : vector<1000x128xf32>
    %mul3A_25 = arith.constant 2.000000e-01 : f32
    %mul3A_26 = vector.broadcast %mul3A_25 : f32 to vector<1000x128xf32>
    %mul3A_27 = arith.mulf %mul3A_26, %add3A_22 : vector<1000x128xf32>
    %select_n3A = arith.select %ge3A_24, %add3A_22, %mul3A_27 : vector<1000x128xi1>, vector<1000x128xf32>
    %swap3A = arith.constant 0 : index
    %swap3A_28 = arith.constant 0 : index
    %swap3A_29 = vector.load %arg6[%swap3A, %swap3A_28] : memref<1000x128xf32, #tpu.memory_space<vmem>>, vector<1000x128xf32>
    tpu.vector_store %arg6[%swap3A, %swap3A_28], %select_n3A {strides = array<i32>} : memref<1000x128xf32, #tpu.memory_space<vmem>>, vector<1000x128xf32>,
    return
  }
  func.func @transform_0(%arg0: i32) -> (i32, i32, i32) {
    %c0_i32 = arith.constant 0 : i32
    %c0_i32_0 = arith.constant 0 : i32
    %c0_i32_1 = arith.constant 0 : i32
    return %c0_i32, %arg0, %c0_i32_0 : i32, i32, i32
  }
  func.func @transform_1(%arg0: i32) -> (i32, i32, i32) {
    %c1_i32 = arith.constant 1 : i32
    %c0_i32 = arith.constant 0 : i32
    %c0_i32_0 = arith.constant 0 : i32
    return %c1_i32, %arg0, %c0_i32 : i32, i32, i32
  }
  func.func @transform_2(%arg0: i32) -> (i32, i32) {
    %c0_i32 = arith.constant 0 : i32
    %c0_i32_0 = arith.constant 0 : i32
    return %arg0, %c0_i32 : i32, i32
  }
  func.func @transform_3(%arg0: i32) -> (i32, i32) {
    %c0_i32 = arith.constant 0 : i32
    %c0_i32_0 = arith.constant 0 : i32
    %c0_i32_1 = arith.constant 0 : i32
    return %c0_i32, %c0_i32_0 : i32, i32
  }
  func.func @transform_4(%arg0: i32) -> (i32, i32) {
    %c0_i32 = arith.constant 0 : i32
    %c0_i32_0 = arith.constant 0 : i32
    %c0_i32_1 = arith.constant 0 : i32
    return %c0_i32, %c0_i32_0 : i32, i32
  }
  func.func @transform_5(%arg0: i32) -> (i32, i32) {
    %c0_i32 = arith.constant 0 : i32
    %c0_i32_0 = arith.constant 0 : i32
    return %arg0, %c0_i32 : i32, i32
  }
}

</mosaic_0001>

<sc_bundles>
// kernel: kernel.4.cloned.1.call-start
scs
__scs_entry_jumppad:
0x0: {  	(pc) =	sbr.rel $0x88, $3  }
0x1: {  	(tag) =	ssettag $0x0;
	lr =	simm.s32 $0x1  }
0x2: {  	[smem:$0x3F9D] =	sst lr;
	_ =	strace $0xD0000000  }
0x3: {  	_ = 	snop  }
0x4: {  	_ = 	snop  }
0x5: {  	_ = 	snop  }
0x6: {  	_ = 	snop  }
0x7: {  	_ = 	snop  }
__scs_overlays_trampoline_lowered:
0x8: {  	[smem:$0x3FAC] =	sst s0  }
0x9: {  	[smem:$0x3FAD] =	sst s1  }
0xa: {  	[smem:$0x3FAE] =	sst s2  }
0xb: {  	[smem:$0x3FAF] =	sst s3  }
0xc: {  	[smem:$0x3FB0] =	sst s4  }
0xd: {  	[smem:$0x3FB1] =	sst s5  }
0xe: {  	[smem:$0x3FB2] =	sst s6  }
0xf: {  	[smem:$0x3FB3] =	sst s7  }
0x10: {  	[smem:$0x3FB4] =	sst s8  }
0x11: {  	[smem:$0x3FB5] =	sst s9;
	s0 =	simm.s32 @!p0 $0x0  }
0x12: {  	s1 =	sld [smem:$0x3F9B];
	s0 =	simm.s32 @p0 $0x1  }
0x13: {  	[smem:$0x3FB6] =	sst s0;
	s0 =	simm.s32 @!p1 $0x0  }
0x14: {  	s2 =	sld [smem:$0x3F9A];
	s0 =	simm.s32 @p1 $0x1  }
0x15: {  	[smem:$0x3FB7] =	sst s0;
	s0 =	simm.s32 @!p2 $0x0  }
0x16: {  	s3 =	sld [smem:$0x3FDB];
	s0 =	simm.s32 @p2 $0x1  }
0x17: {  	s4 =	simm.s32 $0x1BF5;
	[smem:$0x3FB9] =	sst s0  }
0x18: {  	s0 =	sld [smem:$0x3F9C];
	_ =	swait.ge [sflag:s4], $0x0  }
0x19: {  	s7 =	sld [smem:$0x3F9D]  }
0x1a: {  	s8 =	sadd.s32 $0xFFFFE003, lr  }
0x1b: {  	s9 =	sadd.s32 $0xFFFFFEF7, lr;
	s5 =	simm.s32 $0xFFFFFFFF;
	p2 =	slt.u32 s8, $0xFFFFF086  }
0x1c: {  	p1 =	slt.u32 s9, $0xF7A;
	s5 =	simm.s32 @!p2 $0x0  }
0x1d: {  	s5 =	simm.s32 @p1 $0x1;
	p0 =	seq.s32 s7, s2  }
0x1e: {  	s7 =	smul.u32 @!p0 $0xF7A, s2;
	p2 =	seq.s32 @!p0 s5, $0x0  }
0x1f: {  	s9 =	smul.u32 $0xF7A, s1;
	s8 =	simm.s32 @!p0 $0x1BF5;
	p2 =	por !p2, p0  }
0x20: {  	[sflag:s8] =	ssyncset.s32 @!p0 $0xFFFFF086;
	s6 =	sadd.s32 @!p0 s3, s7;
	s7 =	simm.s32 @!p0 $0x108  }
0x21: {  	s3 =	sadd.s32 s3, s9;
	s6 =	sadd.s32 @!p0 $0x88, s6;
	s7 =	simm.s32 @p2 $0x1082  }
0x22: {  	[simem:s7], [sflag:s8] =	dma.local @!p0 [hbm:s6], $0xF7A  }
0x23: {  	s9 =	sor.u32 $0xD0000000, s2;
	s6 =	simm.s32 $0x108;
	_ =	swait.ge @!p0 [sflag:s8], $0x0  }
0x24: {  	s3 =	sadd.s32 $0x88, s3;
	s6 =	simm.s32 @!p1 $0x1082;
	[sflag:s4] =	ssyncset.s32 $0xFFFFF086  }
0x25: {  	[simem:s6], [sflag:s4] =	dma.local [hbm:s3], $0xF7A  }
0x26: {  	[smem:$0x3F9D] =	sst s1;
	(tag) =	ssettag s2;
	_ =	strace s9  }
0x27: {  	s1 =	sld [smem:$0x3FAD]  }
0x28: {  	s2 =	sld [smem:$0x3FAE]  }
0x29: {  	s4 =	sld [smem:$0x3FB0]  }
0x2a: {  	p0 =	seq.s32 s5, $0x0;
	s5 =	sld [smem:$0x3FB1]  }
0x2b: {  	s6 =	sld [smem:$0x3FB2]  }
0x2c: {  	s7 =	sld [smem:$0x3FB3]  }
0x2d: {  	s3 =	simm.s32 $0x108;
	s8 =	sld [smem:$0x3FB4]  }
0x2e: {  	s3 =	simm.s32 @!p0 $0x1082;
	s9 =	sld [smem:$0x3FB5]  }
0x2f: {  	lr =	sadd.s32 s0, s3;
	s0 =	sld [smem:$0x3FAC]  }
0x30: {  	s3 =	sld [smem:$0x3FAF]  }
0x31: {  	[smem:$0x3FB8] =	sst s10  }
0x32: {  	s10 =	sld [smem:$0x3FB6];
	_ =	sdelay $0x3  }
0x33: {  	p0 =	seq.s32 s10, $0x1;
	s10 =	sld [smem:$0x3FB8];
	_ =	sdelay $0x3  }
0x34: {  	[smem:$0x3FB8] =	sst s10  }
0x35: {  	s10 =	sld [smem:$0x3FB7];
	_ =	sdelay $0x3  }
0x36: {  	p1 =	seq.s32 s10, $0x1;
	s10 =	sld [smem:$0x3FB8];
	_ =	sdelay $0x3  }
0x37: {  	[smem:$0x3FB8] =	sst s10  }
0x38: {  	s10 =	sld [smem:$0x3FB9]  }
0x39: {  	_ = 	snop;
	(pc) =	sbr.ind lr, $3  }
0x3a: {  	_ = 	snop  }
0x3b: {  	_ = 	snop  }
0x3c: {  	p2 =	seq.s32 s10, $0x1;
	s10 =	sld [smem:$0x3FB8]  }
0x3d: {  	_ =	shalt  }
0x3e: {  	_ =	shalt  }
0x3f: {  	_ =	shalt  }
0x40: {  	_ =	shalt  }
0x41: {  	_ =	shalt  }
0x42: {  	_ =	shalt  }
0x43: {  	_ =	shalt  }
0x44: {  	_ =	shalt  }
0x45: {  	_ =	shalt  }
0x46: {  	_ =	shalt  }
0x47: {  	_ =	shalt  }
0x48: {  	_ =	shalt  }
0x49: {  	_ =	shalt  }
0x4a: {  	_ =	shalt  }
0x4b: {  	_ =	shalt  }
0x4c: {  	_ =	shalt  }
0x4d: {  	_ =	shalt  }
0x4e: {  	_ =	shalt  }
0x4f: {  	_ =	shalt  }
0x50: {  	_ =	shalt  }
0x51: {  	_ =	shalt  }
0x52: {  	_ =	shalt  }
0x53: {  	_ =	shalt  }
0x54: {  	_ =	shalt  }
0x55: {  	_ =	shalt  }
0x56: {  	_ =	shalt  }
0x57: {  	_ =	shalt  }
0x58: {  	_ =	shalt  }
0x59: {  	_ =	shalt  }
0x5a: {  	_ =	shalt  }
0x5b: {  	_ =	shalt  }
0x5c: {  	_ =	shalt  }
0x5d: {  	_ =	shalt  }
0x5e: {  	_ =	shalt  }
0x5f: {  	_ =	shalt  }
0x60: {  	_ =	shalt  }
0x61: {  	_ =	shalt  }
0x62: {  	_ =	shalt  }
0x63: {  	_ =	shalt  }
0x64: {  	_ =	shalt  }
0x65: {  	_ =	shalt  }
0x66: {  	_ =	shalt  }
0x67: {  	_ =	shalt  }
0x68: {  	_ =	shalt  }
0x69: {  	_ =	shalt  }
0x6a: {  	_ =	shalt  }
0x6b: {  	_ =	shalt  }
0x6c: {  	_ =	shalt  }
0x6d: {  	_ =	shalt  }
0x6e: {  	_ =	shalt  }
0x6f: {  	_ =	shalt  }
0x70: {  	_ =	shalt  }
0x71: {  	_ =	shalt  }
0x72: {  	_ =	shalt  }
0x73: {  	_ =	shalt  }
0x74: {  	_ =	shalt  }
0x75: {  	_ =	shalt  }
0x76: {  	_ =	shalt  }
0x77: {  	_ =	shalt  }
0x78: {  	_ =	shalt  }
0x79: {  	_ =	shalt  }
0x7a: {  	_ =	shalt  }
0x7b: {  	_ =	shalt  }
0x7c: {  	_ =	shalt  }
0x7d: {  	_ =	shalt  }
0x7e: {  	_ =	shalt  }
0x7f: {  	_ =	shalt  }
0x80: {  	_ =	shalt  }
0x81: {  	_ =	shalt  }
0x82: {  	_ =	shalt  }
0x83: {  	_ =	shalt  }
0x84: {  	_ =	shalt  }
0x85: {  	_ =	shalt  }
0x86: {  	_ =	shalt  }
0x87: {  	_ =	shalt  }
.Lfunc_end0:
.L_simem_size_0:
called_computation_lowered:
.L_overlay_start_0:
0x88: {  	s2 =	sld [smem:$0x3FD9]  }
0x89: {  	s3 =	sld [smem:$0x3FFE];
	_ =	sdelay $0x1  }
0x8a: {  	s1 =	srdreg.scid  }
0x8b: {  	s0 =	sand.u32 $0x1, s1  }
0x8c: {  	s17 =	sshll.u32 s0, $0xA;
	s2 =	sadd.s32 s3, s2  }
0x8d: {  	s2 =	sadd.s32 s2, s17  }
0x8e: {  	[smem:$0x3FC4] =	sst s2  }
0x8f: {  	_ = 	snop  }
0x90: {  	s2 =	sld [smem:$0x3FC9]  }
0x91: {  	s18 =	sld [smem:$0x3FD0];
	(tm) =	ssettm $0x1  }
0x92: {  	s4 =	sld [smem:$0x3FFB];
	_ =	sdelay $0x3  }
0x93: {  	_ =	strace s4  }
0x94: {  	s4 =	sld [smem:$0x3FFC];
	_ =	sdelay $0x3  }
0x95: {  	_ =	strace s4  }
0x96: {  	s4 =	sld [smem:$0x3FFD];
	_ =	sdelay $0x3  }
0x97: {  	_ =	strace s4  }
0x98: {  	_ =	strace $0x8FFFFFFF  }
0x99: {  	s19 =	sld [smem:$0x3FDB];
	_ =	sdelay $0x1  }
0x9a: {  	s5 =	simm.s32 $_scs_section_size  }
0x9b: {  	s6 =	simm.s32 $_size__tile_overlayer_lowered;
	s7 =	simm.s32 $_tile_overlayer_lowered  }
0x9c: {  	s22 =	simm.s32 $0x1BFF;
	s21 =	sshll.u32 s7, $0x1;
	s4 =	sadd.s32 s5, s19  }
0x9d: {  	s8 =	simm.s32 $0x0;
	s20 =	sshll.u32 s6, $0x1;
	s6 =	sadd.s32 s21, s4  }
0x9e: {  	[timem:s8], [sflag:s22] =	dma.local [hbm:s6], s20  }
0x9f: {  	_ =	swait.ge [sflag:s22], s20  }
0xa0: {  	s5 =	ssub.s32 $0x0, s20;
	[sflag:s22] =	ssyncset.done $0x0  }
0xa1: {  	[sflag:s22] =	ssyncadd.s32 s5;
	_ =	sdelay $0x1  }
0xa2: {  	s23 =	simm.s32 $0x1B8B  }
0xa3: {  	_ =	swait.ge [sflag:s23], $0x1  }
0xa4: {  	[sflag:s23] =	ssyncset.done $0x0  }
0xa5: {  	s25 =	simm.s32 $0x1B8E;
	s24 =	sld [smem:$0x3FFE];
	[sflag:s23] =	ssyncadd.s32 $0xFFFFFFFF  }
0xa6: {  	s26 =	simm.s32 $execute0_lowered;
	[smem:$0x3FD2] =	sst s25  }
0xa7: {  	s6 =	sshll.u32 s26, $0x1;
	_ =	strace $0x80000046;
	[dreg:$0x1] =	wrdreg $0xFFFFFFFF  }
0xa8: {  	s28 =	simm.s32 $_size_execute0_lowered;
	s4 =	sadd.s32 s4, s6;
	[dreg:$0x0] =	wrdreg $0x0  }
0xa9: {  	s6 =	sshll.u32 s28, $0x1;
	[dreg:$0x2] =	wrdreg s4  }
0xaa: {  	[dreg:$0x3] =	wrdreg s6  }
0xab: {  	[dreg:$0x4] =	wrdreg $0xC0  }
0xac: {  	_ =	task [dreg:s8], $0x5FFFF  }
0xad: {  	[dreg:$0x1] =	wrdreg $0xFFFFFFFF  }
0xae: {  	[dreg:$0x0] =	wrdreg $0x60  }
0xaf: {  	[dreg:$0x2] =	wrdreg s2  }
0xb0: {  	[dreg:$0x3] =	wrdreg s18  }
0xb1: {  	[dreg:$0x4] =	wrdreg s24  }
0xb2: {  	[dreg:$0x5] =	wrdreg $0xB8000  }
0xb3: {  	[dreg:$0x6] =	wrdreg $0x9  }
0xb4: {  	_ =	task.clear_ibuf [dreg:s8], $0x7FFFF;
	_ =	strace $0x90000046  }
0xb5: {  	s29 =	simm.s32 $0x9;
	_ =	strace $0x80000048  }
0xb6: {  	_ =	swait.ge [sflag:s29], $0x1  }
0xb7: {  	[sflag:s29] =	ssyncadd.s32 $0xFFFFFFFF  }
0xb8: {  	_ =	strace $0x90000048  }
0xb9: {  	_ =	sfence  }
0xba: {  	s30 =	sld [smem:$0x0];
	_ =	sdelay $0x2  }
0xbb: {  	s31 =	sshll.u32 s1, $0xD;
	s1 =	sshrl.u32 s1, $0x2  }
0xbc: {  	s3 =	sand.u32 $0x4000, s31;
	s1 =	sadd.s32 s1, s30  }
0xbd: {  	s0 =	sor.u32 s3, s0;
	s1 =	sshll.u32 s1, $0x11  }
0xbe: {  	s0 =	sor.u32 s1, s0  }
0xbf: {  	s0 =	sadd.s32 $0x8F2B, s0  }
0xc0: {  	[sflag:s0] =	ssyncadd.remote.s32 $0x1  }
0xc1: {  	_ =	sfence.sel $0xFFFF  }
0xc2: {  	[dreg:$0x0] =	wrdreg $0xFFFFFFFF;
	(pc) =	sbr.abs _section_cstart, $3  }
0xc3: {  	[dreg:$0x1] =	wrdreg $0xFFFFFFFF  }
0xc4: {  	_ =	task.clear_ibuf [dreg:s8], $0x2FFFF;
	_ =	strace $0x9FFFFFFF  }
0xc5: {  	(tm) =	ssettm $0x7FFFFFFF  }
tec
execute0_lowered:
.L_overlay_start_1:
0x0: {  	(tag) =	ssettag $0x1  }
0x1: {  	s1 =	rddreg [dreg:$0x0]  }
0x2: {  	s12 =	rddreg [dreg:$0x1]  }
0x3: {  	s5 =	rddreg [dreg:$0x2]  }
0x4: {  	s3 =	rddreg [dreg:$0x3]  }
0x5: {  	s0 =	rddreg [dreg:$0x4];
	s2 =	stileid.u32  }
0x6: {  	s4 =	simm.s32 $0x0;
	s7 =	srdreg.scid;
	s13 =	smul.u32 $0x780, s2  }
0x7: {  	s18 =	simm.s32 $0x40;
	s19 =	simm.s32 $0x9800;
	s6 =	smul.u32 $0x280, s2  }
0x8: {  	s20 =	simm.s32 $0x1;
	s21 =	simm.s32 $0x2;
	s30 =	smul.u32 $0x4F000, s2  }
0x9: {  	[smem:$0x7FF] =	sst s4;
	s15 =	sand.u32 $0x1, s7;
	s24 =	smul.u32 $0x2780, s2  }
0xa: {  	s22 =	simm.s32 $0x80;
	_ =	strace $0x80000047;
	s8 =	smul.u32 $0x27800, s15  }
0xb: {  	s9 =	ssub.s32 $0x2, s15;
	p0 =	sne.s32 s15, $0x0;
	s15 =	simm.s32 $0x7800  }
0xc: {  	s14 =	sadd.s32 s13, s5;
	s11 =	sadd.s32 s6, s5;
	s31 =	sshrl.u32 s9, $0x1  }
0xd: {  	s7 =	sshrl.u32 s30, $0x2;
	s12 =	sadd.s32 s12, s13;
	s16 =	sadd.s32 s8, s5  }
.Ltmp0:
0xe: {  	s17 =	ssub.s32 s9, s31;
	s5 =	sadd.s32 s7, s3;
	(pc) =	sbr.rel .LBB2_1-.Ltmp0, $4  }
0xf: {  	s10 =	sadd.s32 $0xA400, s11;
	s11 =	sadd.s32 $0x7C00, s11;
	s13 =	sadd.s32 $0x400, s14  }
0x10: {  	s6 =	sadd.s32 $0x4000, s5;
	s7 =	sadd.s32 $0x8000, s5;
	s8 =	sadd.s32 $0xC000, s5  }
0x11: {  	s9 =	sadd.s32 $0x10000, s5;
	s23 =	sadd.s32 $0xCC00, s16;
	s14 =	smax.u32 s17, $0x1  }
0x12: {  	v0 =	vimm.f32 $0.0e+00;
	s16 =	simm.s32 $0x3;
	s17 =	simm.s32 $0x3C00;
	s23 =	sadd.s32 s24, s23  }
.LBB2_9:
0x13: {  	s24 =	sshra.s32 s24, $0x2;
	[sflag:s16] =	ssyncadd.s32 $0xFFFFC000  }
0x14: {  	[tilespmem:s15], [sflag:$0x1] =	stream.indirect.gather [hbm4b:s1+s18], $0x80, s24, s18, $0xb8;
	[tilespmem:$0x1F400] =	vst v63  }
0x15: {  	s25 =	sadd.s32 $0x40, s24  }
0x16: {  	[tilespmem:s19], [sflag:$0x2] =	stream.indirect.gather [hbm4b:s1+s18], $0x80, s25, s18, $0xb8;
	[tilespmem:$0x1F400] =	vst v63  }
0x17: {  	_ =	swait.ge [sflag:s20], $0x2000  }
0x18: {  	[sflag:s20] =	ssyncset.done $0x0  }
0x19: {  	[sflag:s20] =	ssyncadd.s32 $0xFFFFE000  }
0x1a: {  	_ =	swait.ge [sflag:s21], $0x2000  }
0x1b: {  	[sflag:s21] =	ssyncset.done $0x0  }
0x1c: {  	s24 =	sadd.s32 $0x3C00, s24;
	[sflag:s21] =	ssyncadd.s32 $0xFFFFE000  }
0x1d: {  	[spmem:s3] =	stream.indirect.scatter.add.f32 [tilespmem:s15], [sflag:$0x3], $0x80, s24, s22, $0xb8;
	[tilespmem:$0x1F400] =	vst v63  }
0x1e: {  	_ =	swait.ge [sflag:s16], $0x4000  }
0x1f: {  	[sflag:s16] =	ssyncset.done $0x0  }
0x20: {  	[sflag:s16] =	ssyncadd.s32 $0xFFFFC000  }
.LBB2_10:
0x21: {  	s4 =	sadd.s32 $0x1, s4  }
0x22: {  	s24 =	sshll.u32 s2, $0x6;
	[bflag:$0x0] =	sbarrier.arrive $0xFFFF;
	p1 =	sne.s32 s4, s14  }
.Ltmp1:
0x23: {  	s25 =	sshrl.u32 s5, $0x3;
	s24 =	sor.u32 $0x1C03, s24;
	(pc) =	sbr.rel @!p1 .LBB2_11-.Ltmp1, $4  }
0x24: {  	[hbm:s23], [sflag:s24] =	dma.local [spmem:s25], $0x2780  }
0x25: {  	_ =	swait.ge [sflag:s16], $0x2780  }
0x26: {  	[sflag:s16] =	ssyncset.done $0x0  }
0x27: {  	[sflag:s16] =	ssyncadd.s32 $0xFFFFD880  }
.LBB2_1:
0x28: {  	s24 =	simm.s32 $0x0;
	s25 =	simm.s32 $0x200  }
.LBB2_2:
0x29: {  	p1 =	sne.s32 s25, $0xFE00;
	[tilespmem:s24+$0x7870] =	vst v0  }
0x2a: {  	[tilespmem:s24+$0x7800] =	vst v0  }
0x2b: {  	[tilespmem:s24+$0x7810] =	vst v0  }
.Ltmp2:
0x2c: {  	[tilespmem:s24+$0x7820] =	vst v0;
	(pc) =	sbr.rel @p1 .LBB2_2-.Ltmp2, $4  }
0x2d: {  	[tilespmem:s24+$0x7830] =	vst v0  }
0x2e: {  	[tilespmem:s24+$0x7840] =	vst v0  }
0x2f: {  	[tilespmem:s24+$0x7850] =	vst v0  }
0x30: {  	[tilespmem:s24+$0x7860] =	vst v0;
	s24 =	sshra.s32 s25, $0x2;
	s25 =	sadd.s32 $0x200, s25  }
0x31: {  	[tilespmem:s24+$0x7870] =	vst v0  }
0x32: {  	[tilespmem:s24+$0x7800] =	vst v0  }
0x33: {  	[tilespmem:s24+$0x7810] =	vst v0  }
0x34: {  	[tilespmem:s24+$0x7820] =	vst v0  }
0x35: {  	[tilespmem:s24+$0x7830] =	vst v0  }
0x36: {  	[tilespmem:s24+$0x7840] =	vst v0  }
0x37: {  	[tilespmem:s24+$0x7850] =	vst v0  }
0x38: {  	[tilespmem:s24+$0x7860] =	vst v0  }
0x39: {  	[spmem:s5] =	stream.linear.scatter [tilespmem:s15], [sflag:$0x3], $0x4000, $0x38;
	[tilespmem:$0x1F400] =	vst v63  }
0x3a: {  	_ =	swait.ge [sflag:s16], $0x4000  }
0x3b: {  	[sflag:s16] =	ssyncset.done $0x0  }
0x3c: {  	[sflag:s16] =	ssyncadd.s32 $0xFFFFC000  }
0x3d: {  	[spmem:s6] =	stream.linear.scatter [tilespmem:s15], [sflag:$0x3], $0x4000, $0x38;
	[tilespmem:$0x1F400] =	vst v63  }
0x3e: {  	_ =	swait.ge [sflag:s16], $0x4000  }
0x3f: {  	[sflag:s16] =	ssyncset.done $0x0  }
0x40: {  	[sflag:s16] =	ssyncadd.s32 $0xFFFFC000  }
0x41: {  	[spmem:s7] =	stream.linear.scatter [tilespmem:s15], [sflag:$0x3], $0x4000, $0x38;
	[tilespmem:$0x1F400] =	vst v63  }
0x42: {  	_ =	swait.ge [sflag:s16], $0x4000  }
0x43: {  	[sflag:s16] =	ssyncset.done $0x0  }
0x44: {  	[sflag:s16] =	ssyncadd.s32 $0xFFFFC000  }
0x45: {  	[spmem:s8] =	stream.linear.scatter [tilespmem:s15], [sflag:$0x3], $0x4000, $0x38;
	[tilespmem:$0x1F400] =	vst v63  }
0x46: {  	_ =	swait.ge [sflag:s16], $0x4000  }
0x47: {  	[sflag:s16] =	ssyncset.done $0x0  }
.Ltmp3:
0x48: {  	[sflag:s16] =	ssyncadd.s32 $0xFFFFC000;
	(pc) =	sbr.rel @p0 .LBB2_7-.Ltmp3, $4  }
0x49: {  	[spmem:s9] =	stream.linear.scatter [tilespmem:s15], [sflag:$0x3], $0x3C00, $0x38;
	[tilespmem:$0x1F400] =	vst v63  }
0x4a: {  	_ =	swait.ge [sflag:s16], $0x3C00  }
0x4b: {  	[sflag:s16] =	ssyncset.done $0x0  }
0x4c: {  	s24 =	simm.s32 $0x0;
	[sflag:s16] =	ssyncadd.s32 $0xFFFFC400  }
0x4d: {  	[tilespmem:s24], [sflag:$0x3] =	stream.linear.gather [hbm4b:s12+s24], $0x3B00, $0x38;
	[tilespmem:$0x1F400] =	vst v63  }
0x4e: {  	_ =	swait.ge [sflag:s16], $0x3B00  }
0x4f: {  	[sflag:s16] =	ssyncset.done $0x0  }
0x50: {  	[sflag:s16] =	ssyncadd.s32 $0xFFFFC500  }
0x51: {  	[tilespmem:s17], [sflag:$0x3] =	stream.linear.gather [hbm4b:s13+s24], $0x3B00, $0x38;
	[tilespmem:$0x1F400] =	vst v63  }
0x52: {  	_ =	swait.ge [sflag:s16], $0x3B00  }
0x53: {  	[sflag:s16] =	ssyncset.done $0x0  }
0x54: {  	[sflag:s16] =	ssyncadd.s32 $0xFFFFC500  }
0x55: {  	s29 =	simm.s32 $0x0;
	[bflag:$0x0] =	sbarrier.arrive $0xFFFF  }
0x56: {  	[tilespmem:s15], [sflag:$0x1] =	stream.indirect.gather [hbm4b:s1+s18], $0x80, s29, s18, $0xb8;
	[tilespmem:$0x1F400] =	vst v63  }
0x57: {  	s30 =	simm.s32 $0x40  }
0x58: {  	[tilespmem:s19], [sflag:$0x2] =	stream.indirect.gather [hbm4b:s1+s18], $0x80, s30, s18, $0xb8;
	[tilespmem:$0x1F400] =	vst v63  }
0x59: {  	_ =	swait.ge [sflag:s20], $0x2000  }
0x5a: {  	[sflag:s20] =	ssyncset.done $0x0  }
0x5b: {  	[sflag:s20] =	ssyncadd.s32 $0xFFFFE000  }
0x5c: {  	_ =	swait.ge [sflag:s21], $0x2000  }
0x5d: {  	[sflag:s21] =	ssyncset.done $0x0  }
0x5e: {  	s31 =	simm.s32 $0x3C00;
	[sflag:s21] =	ssyncadd.s32 $0xFFFFE000  }
0x5f: {  	[spmem:s3] =	stream.indirect.scatter.add.f32 [tilespmem:s15], [sflag:$0x3], $0x80, s31, s22, $0xb8;
	[tilespmem:$0x1F400] =	vst v63  }
0x60: {  	_ =	swait.ge [sflag:s16], $0x4000  }
0x61: {  	s25 =	simm.s32 $0x400;
	s24 =	simm.s32 $0x200;
	[sflag:s16] =	ssyncset.done $0x0  }
.LBB2_5:
0x62: {  	s26 =	sshra.s32 s24, $0x2  }
0x63: {  	[sflag:s16] =	ssyncadd.s32 $0xFFFFC000;
	s24 =	smov.u32 s25;
	s28 =	sadd.s32 $0x200, s25  }
0x64: {  	[tilespmem:s15], [sflag:$0x1] =	stream.indirect.gather [hbm4b:s1+s18], $0x80, s26, s18, $0xb8;
	[tilespmem:$0x1F400] =	vst v63  }
0x65: {  	p1 =	seq.s32 s25, $0xEA00;
	s25 =	sadd.s32 $0x40, s26  }
0x66: {  	[tilespmem:s19], [sflag:$0x2] =	stream.indirect.gather [hbm4b:s1+s18], $0x80, s25, s18, $0xb8;
	[tilespmem:$0x1F400] =	vst v63  }
0x67: {  	_ =	swait.ge [sflag:s20], $0x2000  }
0x68: {  	[sflag:s20] =	ssyncset.done $0x0  }
0x69: {  	[sflag:s20] =	ssyncadd.s32 $0xFFFFE000  }
0x6a: {  	_ =	swait.ge [sflag:s21], $0x2000  }
.Ltmp4:
0x6b: {  	[sflag:s21] =	ssyncset.done $0x0;
	(pc) =	sbr.rel @!p1 .LBB2_5-.Ltmp4, $4  }
0x6c: {  	s25 =	sadd.s32 $0x3C00, s26;
	[sflag:s21] =	ssyncadd.s32 $0xFFFFE000  }
0x6d: {  	[spmem:s3] =	stream.indirect.scatter.add.f32 [tilespmem:s15], [sflag:$0x3], $0x80, s25, s22, $0xb8;
	[tilespmem:$0x1F400] =	vst v63  }
0x6e: {  	_ =	swait.ge [sflag:s16], $0x4000  }
0x6f: {  	s25 =	smov.u32 s28;
	[sflag:s16] =	ssyncset.done $0x0  }
0x70: {  	s24 =	sshra.s32 s24, $0x2;
	[sflag:s16] =	ssyncadd.s32 $0xFFFFC000  }
0x71: {  	[tilespmem:s15], [sflag:$0x1] =	stream.indirect.gather [hbm4b:s1+s18], $0x80, s24, s18, $0xb8;
	[tilespmem:$0x1F400] =	vst v63  }
0x72: {  	s25 =	sadd.s32 $0x40, s24  }
0x73: {  	[tilespmem:s19], [sflag:$0x2] =	stream.indirect.gather [hbm4b:s1+s18], $0x80, s25, s18, $0xb8;
	[tilespmem:$0x1F400] =	vst v63  }
0x74: {  	_ =	swait.ge [sflag:s20], $0x2000  }
0x75: {  	[sflag:s20] =	ssyncset.done $0x0  }
0x76: {  	[sflag:s20] =	ssyncadd.s32 $0xFFFFE000  }
0x77: {  	_ =	swait.ge [sflag:s21], $0x2000  }
0x78: {  	[sflag:s21] =	ssyncset.done $0x0  }
.Ltmp5:
0x79: {  	s24 =	sadd.s32 $0x3C00, s24;
	[sflag:s21] =	ssyncadd.s32 $0xFFFFE000;
	(pc) =	sbr.rel .LBB2_10-.Ltmp5, $4  }
0x7a: {  	[spmem:s3] =	stream.indirect.scatter.add.f32 [tilespmem:s15], [sflag:$0x3], $0x80, s24, s22, $0xb8;
	[tilespmem:$0x1F400] =	vst v63  }
0x7b: {  	_ =	swait.ge [sflag:s16], $0x4000  }
0x7c: {  	[sflag:s16] =	ssyncset.done $0x0  }
0x7d: {  	[sflag:s16] =	ssyncadd.s32 $0xFFFFC000  }
.LBB2_7:
0x7e: {  	[tilespmem:s24], [sflag:$0x3] =	stream.linear.gather [hbm4b:s10+s24], $0x1380, $0x38;
	[tilespmem:$0x1F400] =	vst v63  }
0x7f: {  	_ =	swait.ge [sflag:s16], $0x1380  }
0x80: {  	[sflag:s16] =	ssyncset.done $0x0  }
0x81: {  	[sflag:s16] =	ssyncadd.s32 $0xFFFFEC80  }
0x82: {  	[tilespmem:s17], [sflag:$0x3] =	stream.linear.gather [hbm4b:s11+s24], $0x1380, $0x38;
	[tilespmem:$0x1F400] =	vst v63  }
0x83: {  	_ =	swait.ge [sflag:s16], $0x1380  }
0x84: {  	[sflag:s16] =	ssyncset.done $0x0  }
0x85: {  	[sflag:s16] =	ssyncadd.s32 $0xFFFFEC80  }
0x86: {  	s29 =	simm.s32 $0x0;
	[bflag:$0x0] =	sbarrier.arrive $0xFFFF  }
0x87: {  	[tilespmem:s15], [sflag:$0x1] =	stream.indirect.gather [hbm4b:s1+s18], $0x80, s29, s18, $0xb8;
	[tilespmem:$0x1F400] =	vst v63  }
0x88: {  	s30 =	simm.s32 $0x40  }
0x89: {  	[tilespmem:s19], [sflag:$0x2] =	stream.indirect.gather [hbm4b:s1+s18], $0x80, s30, s18, $0xb8;
	[tilespmem:$0x1F400] =	vst v63  }
0x8a: {  	_ =	swait.ge [sflag:s20], $0x2000  }
0x8b: {  	[sflag:s20] =	ssyncset.done $0x0  }
0x8c: {  	[sflag:s20] =	ssyncadd.s32 $0xFFFFE000  }
0x8d: {  	_ =	swait.ge [sflag:s21], $0x2000  }
0x8e: {  	[sflag:s21] =	ssyncset.done $0x0  }
0x8f: {  	s31 =	simm.s32 $0x3C00;
	[sflag:s21] =	ssyncadd.s32 $0xFFFFE000  }
0x90: {  	[spmem:s3] =	stream.indirect.scatter.add.f32 [tilespmem:s15], [sflag:$0x3], $0x80, s31, s22, $0xb8;
	[tilespmem:$0x1F400] =	vst v63  }
0x91: {  	_ =	swait.ge [sflag:s16], $0x4000  }
0x92: {  	s25 =	simm.s32 $0x400;
	s24 =	simm.s32 $0x200;
	[sflag:s16] =	ssyncset.done $0x0  }
.LBB2_8:
0x93: {  	s26 =	sshra.s32 s24, $0x2  }
0x94: {  	[sflag:s16] =	ssyncadd.s32 $0xFFFFC000;
	s24 =	smov.u32 s25;
	s28 =	sadd.s32 $0x200, s25  }
0x95: {  	[tilespmem:s15], [sflag:$0x1] =	stream.indirect.gather [hbm4b:s1+s18], $0x80, s26, s18, $0xb8;
	[tilespmem:$0x1F400] =	vst v63  }
0x96: {  	p1 =	sne.s32 s25, $0x4C00;
	s25 =	sadd.s32 $0x40, s26  }
0x97: {  	[tilespmem:s19], [sflag:$0x2] =	stream.indirect.gather [hbm4b:s1+s18], $0x80, s25, s18, $0xb8;
	[tilespmem:$0x1F400] =	vst v63  }
0x98: {  	_ =	swait.ge [sflag:s20], $0x2000  }
0x99: {  	[sflag:s20] =	ssyncset.done $0x0  }
0x9a: {  	[sflag:s20] =	ssyncadd.s32 $0xFFFFE000  }
0x9b: {  	_ =	swait.ge [sflag:s21], $0x2000  }
.Ltmp6:
0x9c: {  	[sflag:s21] =	ssyncset.done $0x0;
	(pc) =	sbr.rel @p1 .LBB2_8-.Ltmp6, $4  }
0x9d: {  	s25 =	sadd.s32 $0x3C00, s26;
	[sflag:s21] =	ssyncadd.s32 $0xFFFFE000  }
0x9e: {  	[spmem:s3] =	stream.indirect.scatter.add.f32 [tilespmem:s15], [sflag:$0x3], $0x80, s25, s22, $0xb8;
	[tilespmem:$0x1F400] =	vst v63  }
0x9f: {  	_ =	swait.ge [sflag:s16], $0x4000  }
0xa0: {  	s25 =	smov.u32 s28;
	[sflag:s16] =	ssyncset.done $0x0  }
.Ltmp7:
0xa1: {  	_ = 	snop;
	(pc) =	sbr.rel .LBB2_9-.Ltmp7, $1  }
0xa2: {  	_ =	sdelay $0x3  }
.LBB2_11:
0xa3: {  	_ =	sfence.sel $0x180000  }
0xa4: {  	[bflag:$0x0] =	sbarrier.arrive $0xFFFF  }
0xa5: {  	p0 =	sne.s32 s2, $0x0;
	_ =	strace $0x90000047  }
0xa6: {  	s0 =	sadd.s32 @!p0 $0x100000, s0;
	[bflag:$0x2] =	sbarrier.arrive $0xFFFF  }
0xa7: {  	[sflag:s0] =	ssyncadd.tile.s32 @!p0 $0x1;
	_ =	shalt  }
.Lfunc_end2:
_tile_overlayer_lowered:
.L_overlay_start_2:
0xa8: {  	(tag) =	ssettag $0x2  }
0xa9: {  	s0 =	rddreg [dreg:$0x0];
	s2 =	stileid.u32  }
0xaa: {  	s1 =	rddreg [dreg:$0x1];
	p0 =	sne.s32 s2, $0x0  }
0xab: {  	s3 =	rddreg [dreg:$0x2];
	[bflag:$0x3] =	sbarrier.arrive $0xFFFF;
	s2 =	simm.s32 @!p0 $0x1C03  }
0xac: {  	[timem:s3], [sflag:s2] =	dma.local @!p0 [hbm:s0], s1  }
0xad: {  	s0 =	simm.s32 @!p0 $0x3  }
0xae: {  	_ =	swait.ge @!p0 [sflag:s0], s1  }
0xaf: {  	s1 =	ssub.s32 @!p0 $0x0, s1;
	[sflag:s0] =	ssyncset.done @!p0 $0x0  }
0xb0: {  	[sflag:s0] =	ssyncadd.s32 @!p0 s1  }
0xb1: {  	[bflag:$0x3] =	sbarrier.arrive $0xFFFF  }
0xb2: {  	_ =	shalt  }

</sc_bundles>
